<compile_context>
chip_gen: v7x
topology: tpu7x:2x2x1
jax: 0.10.2.dev20260603
libtpu: 0.0.44.dev20260713+nightly
codegen_flags: <defaults>
</compile_context>

<pallas_src>
import functools

import jax
import jax.numpy as jnp
from jax import lax
from jax.experimental import pallas as pl
from jax.experimental.pallas import tpu as pltpu
from jax.experimental.pallas import tpu_sc as plsc

_NUM_WORKERS = 32
_NBUF = 4
_CH = 8


def _gather_kernel(batch, seq, d, ids_hbm, table_hbm, out_hbm,
                   idx_v, buf, region, gsem, csem, ssem, dsem):
    n_rows = batch * seq
    b_per_w = n_rows // _NUM_WORKERS
    n_chunks = b_per_w // _CH
    n_groups = n_chunks // _NBUF
    per_row = seq // b_per_w
    s = lax.axis_index("s")
    wid = s * 2 + lax.axis_index("c")
    row = wid // per_row
    col = (wid % per_row) * b_per_w
    pltpu.sync_copy(ids_hbm.at[row, pl.ds(col, b_per_w)], idx_v)
    myregion = region.at[s]

    def gather(i, b2):
        return pltpu.make_async_copy(
            table_hbm.at[idx_v.at[pl.ds(i * _CH, _CH)]], buf.at[b2], gsem
        )

    def direct(i):
        return pltpu.make_async_copy(
            buf.at[0], out_hbm.at[row, pl.ds(col + i * _CH, _CH)], dsem
        )

    def tospmem(b2):
        return pltpu.make_async_copy(buf.at[b2], myregion.at[b2 - 1], csem)

    def drain(i, b2):
        return pltpu.make_async_copy(
            myregion.at[b2 - 1], out_hbm.at[row, pl.ds(col + i * _CH, _CH)], ssem
        )

    for b2 in range(_NBUF):
        gather(b2, b2).start()

    def grp(g, carry):
        for b2 in range(_NBUF):
            i = g * _NBUF + b2
            gather(i, b2).wait()
            if b2 == 0:
                direct(i).start()

                @pl.when(g < n_groups - 1)
                def _():
                    direct(i).wait()
                    gather(i + _NBUF, 0).start()
            else:

                @pl.when(g > 0)
                def _():
                    drain(i, b2).wait()

                tospmem(b2).start()
                tospmem(b2).wait()
                drain(i, b2).start()

                @pl.when(g < n_groups - 1)
                def _():
                    gather(i + _NBUF, b2).start()

        return carry

    lax.fori_loop(0, n_groups, grp, 0)
    direct(0).wait()
    for b2 in range(1, _NBUF):
        drain(0, b2).wait()


def kernel(input_ids, embed_table):
    b, s = input_ids.shape
    v, d = embed_table.shape
    input_ids = input_ids.astype(jnp.int32)

    mesh = plsc.VectorSubcoreMesh(core_axis_name="c", subcore_axis_name="s")
    run = pl.kernel(
        functools.partial(_gather_kernel, b, s, d),
        mesh=mesh,
        out_type=jax.ShapeDtypeStruct((b, s, d), jnp.float32),
        scratch_types=[
            pltpu.VMEM((b * s // _NUM_WORKERS,), jnp.int32),
            pltpu.VMEM((_NBUF, _CH, d), jnp.float32),
            pltpu.MemorySpace.VMEM_SHARED((16, _NBUF - 1, _CH, d), jnp.float32),
            pltpu.SemaphoreType.DMA,
            pltpu.SemaphoreType.DMA,
            pltpu.SemaphoreType.DMA,
            pltpu.SemaphoreType.DMA,
        ],
    )
    return run(input_ids, embed_table)

# --- scband reference (transcript-rebuilt; emitter-appended) ---
"""Pipeline reference for scband-lite-model-24043226923777 (READ-ONLY COPY).

The authoritative reference and input builder live on the scoring server;
editing this copy changes nothing except your own understanding.
"""

import jax, jax.numpy as jnp
import numpy as np

VOCAB_SIZE = 128256
HIDDEN_SIZE = 2048
BATCH = 4
SEQ_LEN = 4096


def setup_inputs(seed: int = 0) -> dict:
    key = jax.random.key(seed)
    k_ids, k_tab = jax.random.split(key)
    input_ids = jax.random.randint(k_ids, (BATCH, SEQ_LEN), 0, VOCAB_SIZE, dtype=jnp.int64 if jax.config.jax_enable_x64 else jnp.int32)
    embed_table = jax.random.normal(k_tab, (VOCAB_SIZE, HIDDEN_SIZE), dtype=jnp.float32) * 0.02
    return {"input_ids": input_ids, "embed_table": embed_table}


def reference(input_ids, embed_table):
    # LiteModel.forward: hidden_states = embed_tokens(input_ids)
    # layers list is empty; norm is None in this stub, so the faithful
    # computation is the embedding lookup itself (identity norm).
    hidden_states = jnp.take(embed_table, input_ids, axis=0)
    return hidden_states

if __name__ == "__main__":
    import jax
    _d = setup_inputs()
    print(jax.jit(kernel)(*tuple(_d.values())))

</pallas_src>

<mosaic_0001>
#map = affine_map<(d0, d1) -> (0, 0)>
#map1 = affine_map<(d0, d1) -> (0, 0, 0)>
module attributes {stable_mosaic.version = 14 : i64} {
  func.func @_gather_kernel(%arg0: i32, %arg1: i32, %arg2: memref<4x4096xi32, #tpu.memory_space<hbm>>, %arg3: memref<128256x2048xf32, #tpu.memory_space<hbm>>, %arg4: memref<4x4096x2048xf32, #tpu.memory_space<hbm>>, %arg5: memref<512xi32, #tpu.memory_space<vmem>>, %arg6: memref<4x8x2048xf32, #tpu.memory_space<vmem>>, %arg7: memref<16x3x8x2048xf32, #tpu.memory_space<vmem_shared>>, %arg8: memref<!tpu.dma_semaphore, #tpu.memory_space<semaphore_mem>>, %arg9: memref<!tpu.dma_semaphore, #tpu.memory_space<semaphore_mem>>, %arg10: memref<!tpu.dma_semaphore, #tpu.memory_space<semaphore_mem>>, %arg11: memref<!tpu.dma_semaphore, #tpu.memory_space<semaphore_mem>>) attributes {dimension_semantics = [#tpu.dimension_semantics<core_parallel>, #tpu.dimension_semantics<subcore_parallel>], iteration_bounds = array<i64: 2, 16>, scalar_prefetch = 0 : i64, scratch_operands = 7 : i64, tpu.core_type = #tpu.core_type<sc_vector_subcore>, window_params = [{transform_indices = #map}, {transform_indices = #map}, {transform_indices = #map1}]} {
    %mul3A = arith.constant 2 : i32
    %mul3A_0 = arith.muli %arg1, %mul3A : i32
    %add3A = arith.addi %mul3A_0, %arg0 : i32
    %jit3A = arith.constant 8 : i32
    %div3A = arith.divsi %add3A, %jit3A : i32
    %sign3A = arith.constant 0 : i32
    %sign3A_1 = arith.cmpi sgt, %add3A, %sign3A : i32
    %sign3A_2 = arith.extui %sign3A_1 : i1 to i32
    %sign3A_3 = arith.constant 0 : i32
    %sign3A_4 = arith.cmpi slt, %add3A, %sign3A_3 : i32
    %sign3A_5 = arith.extui %sign3A_4 : i1 to i32
    %sign3A_6 = arith.subi %sign3A_2, %sign3A_5 : i32
    %sign3A_7 = arith.constant 0 : i32
    %sign3A_8 = arith.cmpi sgt, %jit3A, %sign3A_7 : i32
    %sign3A_9 = arith.extui %sign3A_8 : i1 to i32
    %sign3A_10 = arith.constant 0 : i32
    %sign3A_11 = arith.cmpi slt, %jit3A, %sign3A_10 : i32
    %sign3A_12 = arith.extui %sign3A_11 : i1 to i32
    %sign3A_13 = arith.subi %sign3A_9, %sign3A_12 : i32
    %ne3A = arith.cmpi ne, %sign3A_6, %sign3A_13 : i32
    %rem3A = arith.remsi %add3A, %jit3A : i32
    %ne3A_14 = arith.constant 0 : i32
    %ne3A_15 = arith.cmpi ne, %rem3A, %ne3A_14 : i32
    %and3A = arith.andi %ne3A, %ne3A_15 : i1
    %sub3A = arith.constant 1 : i32
    %sub3A_16 = arith.subi %div3A, %sub3A : i32
    %select_n3A = arith.select %and3A, %sub3A_16, %div3A : i32
    %jit3A_17 = arith.constant 8 : i32
    %eq3A = arith.constant 0 : i32
    %eq3A_18 = arith.cmpi eq, %jit3A_17, %eq3A : i32
    %jit3A_19 = arith.constant 1 : i32
    %select_n3A_20 = arith.select %eq3A_18, %jit3A_19, %jit3A_17 : i32
    %rem3A_21 = arith.remsi %add3A, %select_n3A_20 : i32
    %ne3A_22 = arith.constant 0 : i32
    %ne3A_23 = arith.cmpi ne, %rem3A_21, %ne3A_22 : i32
    %lt3A = arith.constant 0 : i32
    %lt3A_24 = arith.cmpi slt, %rem3A_21, %lt3A : i32
    %lt3A_25 = arith.constant 0 : i32
    %lt3A_26 = arith.cmpi slt, %select_n3A_20, %lt3A_25 : i32
    %ne3A_27 = arith.xori %lt3A_24, %lt3A_26 : i1
    %and3A_28 = arith.andi %ne3A_27, %ne3A_23 : i1
    %add3A_29 = arith.addi %rem3A_21, %select_n3A_20 : i32
    %select_n3A_30 = arith.select %and3A_28, %add3A_29, %rem3A_21 : i32
    %mul3A_31 = arith.constant 512 : i32
    %mul3A_32 = arith.muli %select_n3A_30, %mul3A_31 : i32
    "tpu.region"() ({
      %run_scoped3A = tpu.sem_alloc : memref<!tpu.dma_semaphore, #tpu.memory_space<semaphore_mem>>
      %dma_start3A_138 = tpu.memref_slice %arg2[%select_n3A, %mul3A_32] : memref<4x4096xi32, #tpu.memory_space<hbm>> -> memref<1x512xi32, #tpu.memory_space<hbm>>
      %dma_start3A_139 = tpu.memref_squeeze %dma_start3A_138 : memref<1x512xi32, #tpu.memory_space<hbm>> -> memref<512xi32, #tpu.memory_space<hbm>>
      %dma_start3A_140 = tpu.memref_slice %arg2[%select_n3A, %mul3A_32] : memref<4x4096xi32, #tpu.memory_space<hbm>> -> memref<1x512xi32, #tpu.memory_space<hbm>>
      %dma_start3A_141 = tpu.memref_squeeze %dma_start3A_140 : memref<1x512xi32, #tpu.memory_space<hbm>> -> memref<512xi32, #tpu.memory_space<hbm>>
      tpu.enqueue_dma source(%dma_start3A_141 : memref<512xi32, #tpu.memory_space<hbm>>) target(%arg5 : memref<512xi32, #tpu.memory_space<vmem>>) target_semaphore(%run_scoped3A : memref<!tpu.dma_semaphore, #tpu.memory_space<semaphore_mem>>)
      %dma_wait3A_142 = tpu.memref_slice %arg2[%select_n3A, %mul3A_32] : memref<4x4096xi32, #tpu.memory_space<hbm>> -> memref<1x512xi32, #tpu.memory_space<hbm>>
      %dma_wait3A_143 = tpu.memref_squeeze %dma_wait3A_142 : memref<1x512xi32, #tpu.memory_space<hbm>> -> memref<512xi32, #tpu.memory_space<hbm>>
      %dma_wait3A_144 = tpu.memref_slice %arg2[%select_n3A, %mul3A_32] : memref<4x4096xi32, #tpu.memory_space<hbm>> -> memref<1x512xi32, #tpu.memory_space<hbm>>
      %dma_wait3A_145 = tpu.memref_squeeze %dma_wait3A_144 : memref<1x512xi32, #tpu.memory_space<hbm>> -> memref<512xi32, #tpu.memory_space<hbm>>
      tpu.wait_dma2 semaphore(%run_scoped3A : memref<!tpu.dma_semaphore, #tpu.memory_space<semaphore_mem>>) src(%dma_wait3A_145 : memref<512xi32, #tpu.memory_space<hbm>>) dst(%arg5 : memref<512xi32, #tpu.memory_space<vmem>>)
      tpu.yield
    }) : () -> ()
    %dma_start3A = arith.constant 0 : i32
    %dma_start3A_33 = arith.constant 0 : i32
    %dma_start3A_34 = arith.constant 0 : i32
    %dma_start3A_35 = tpu.memref_slice %arg6[%dma_start3A, %dma_start3A_33, %dma_start3A_34] : memref<4x8x2048xf32, #tpu.memory_space<vmem>> -> memref<1x8x2048xf32, #tpu.memory_space<vmem>>
    %dma_start3A_36 = tpu.memref_squeeze %dma_start3A_35 : memref<1x8x2048xf32, #tpu.memory_space<vmem>> -> memref<8x2048xf32, #tpu.memory_space<vmem>>
    %dma_start3A_37 = arith.constant 0 : i32
    %dma_start3A_38 = tpu.memref_slice %arg5[%dma_start3A_37] : memref<512xi32, #tpu.memory_space<vmem>> -> memref<8xi32, #tpu.memory_space<vmem>>
    %dma_start3A_39 = arith.constant 0 : i32
    %dma_start3A_40 = arith.constant 0 : i32
    %dma_start3A_41 = tpu.memref_slice %arg3[%dma_start3A_39, %dma_start3A_40] : memref<128256x2048xf32, #tpu.memory_space<hbm>> -> memref<128256x2048xf32, #tpu.memory_space<hbm>>
    tpu.enqueue_indirect_dma source(%dma_start3A_41 : memref<128256x2048xf32, #tpu.memory_space<hbm>>) target(%dma_start3A_36 : memref<8x2048xf32, #tpu.memory_space<vmem>>) offsets(%dma_start3A_38 : memref<8xi32, #tpu.memory_space<vmem>>) semaphore(%arg8 : memref<!tpu.dma_semaphore, #tpu.memory_space<semaphore_mem>>)
    %dma_start3A_42 = arith.constant 1 : i32
    %dma_start3A_43 = arith.constant 0 : i32
    %dma_start3A_44 = arith.constant 0 : i32
    %dma_start3A_45 = tpu.memref_slice %arg6[%dma_start3A_42, %dma_start3A_43, %dma_start3A_44] : memref<4x8x2048xf32, #tpu.memory_space<vmem>> -> memref<1x8x2048xf32, #tpu.memory_space<vmem>>
    %dma_start3A_46 = tpu.memref_squeeze %dma_start3A_45 : memref<1x8x2048xf32, #tpu.memory_space<vmem>> -> memref<8x2048xf32, #tpu.memory_space<vmem>>
    %dma_start3A_47 = arith.constant 8 : i32
    %dma_start3A_48 = tpu.memref_slice %arg5[%dma_start3A_47] : memref<512xi32, #tpu.memory_space<vmem>> -> memref<8xi32, #tpu.memory_space<vmem>>
    %dma_start3A_49 = arith.constant 0 : i32
    %dma_start3A_50 = arith.constant 0 : i32
    %dma_start3A_51 = tpu.memref_slice %arg3[%dma_start3A_49, %dma_start3A_50] : memref<128256x2048xf32, #tpu.memory_space<hbm>> -> memref<128256x2048xf32, #tpu.memory_space<hbm>>
    tpu.enqueue_indirect_dma source(%dma_start3A_51 : memref<128256x2048xf32, #tpu.memory_space<hbm>>) target(%dma_start3A_46 : memref<8x2048xf32, #tpu.memory_space<vmem>>) offsets(%dma_start3A_48 : memref<8xi32, #tpu.memory_space<vmem>>) semaphore(%arg8 : memref<!tpu.dma_semaphore, #tpu.memory_space<semaphore_mem>>)
    %dma_start3A_52 = arith.constant 2 : i32
    %dma_start3A_53 = arith.constant 0 : i32
    %dma_start3A_54 = arith.constant 0 : i32
    %dma_start3A_55 = tpu.memref_slice %arg6[%dma_start3A_52, %dma_start3A_53, %dma_start3A_54] : memref<4x8x2048xf32, #tpu.memory_space<vmem>> -> memref<1x8x2048xf32, #tpu.memory_space<vmem>>
    %dma_start3A_56 = tpu.memref_squeeze %dma_start3A_55 : memref<1x8x2048xf32, #tpu.memory_space<vmem>> -> memref<8x2048xf32, #tpu.memory_space<vmem>>
    %dma_start3A_57 = arith.constant 16 : i32
    %dma_start3A_58 = tpu.memref_slice %arg5[%dma_start3A_57] : memref<512xi32, #tpu.memory_space<vmem>> -> memref<8xi32, #tpu.memory_space<vmem>>
    %dma_start3A_59 = arith.constant 0 : i32
    %dma_start3A_60 = arith.constant 0 : i32
    %dma_start3A_61 = tpu.memref_slice %arg3[%dma_start3A_59, %dma_start3A_60] : memref<128256x2048xf32, #tpu.memory_space<hbm>> -> memref<128256x2048xf32, #tpu.memory_space<hbm>>
    tpu.enqueue_indirect_dma source(%dma_start3A_61 : memref<128256x2048xf32, #tpu.memory_space<hbm>>) target(%dma_start3A_56 : memref<8x2048xf32, #tpu.memory_space<vmem>>) offsets(%dma_start3A_58 : memref<8xi32, #tpu.memory_space<vmem>>) semaphore(%arg8 : memref<!tpu.dma_semaphore, #tpu.memory_space<semaphore_mem>>)
    %dma_start3A_62 = arith.constant 3 : i32
    %dma_start3A_63 = arith.constant 0 : i32
    %dma_start3A_64 = arith.constant 0 : i32
    %dma_start3A_65 = tpu.memref_slice %arg6[%dma_start3A_62, %dma_start3A_63, %dma_start3A_64] : memref<4x8x2048xf32, #tpu.memory_space<vmem>> -> memref<1x8x2048xf32, #tpu.memory_space<vmem>>
    %dma_start3A_66 = tpu.memref_squeeze %dma_start3A_65 : memref<1x8x2048xf32, #tpu.memory_space<vmem>> -> memref<8x2048xf32, #tpu.memory_space<vmem>>
    %dma_start3A_67 = arith.constant 24 : i32
    %dma_start3A_68 = tpu.memref_slice %arg5[%dma_start3A_67] : memref<512xi32, #tpu.memory_space<vmem>> -> memref<8xi32, #tpu.memory_space<vmem>>
    %dma_start3A_69 = arith.constant 0 : i32
    %dma_start3A_70 = arith.constant 0 : i32
    %dma_start3A_71 = tpu.memref_slice %arg3[%dma_start3A_69, %dma_start3A_70] : memref<128256x2048xf32, #tpu.memory_space<hbm>> -> memref<128256x2048xf32, #tpu.memory_space<hbm>>
    tpu.enqueue_indirect_dma source(%dma_start3A_71 : memref<128256x2048xf32, #tpu.memory_space<hbm>>) target(%dma_start3A_66 : memref<8x2048xf32, #tpu.memory_space<vmem>>) offsets(%dma_start3A_68 : memref<8xi32, #tpu.memory_space<vmem>>) semaphore(%arg8 : memref<!tpu.dma_semaphore, #tpu.memory_space<semaphore_mem>>)
    %scan3A = arith.constant 0 : i32
    %scan3A_72 = arith.constant 0 : i32
    %scan3A_73 = arith.constant 16 : i32
    %scan3A_74 = arith.addi %scan3A_72, %scan3A_73 : i32
    %scan3A_75 = arith.constant 1 : i32
    scf.for %scan3A_138 = %scan3A_72 to %scan3A_74 step %scan3A_75  : i32 {
      %mul3A_139 = arith.constant 4 : i32
      %mul3A_140 = arith.muli %scan3A_138, %mul3A_139 : i32
      %add3A_141 = arith.constant 0 : i32
      %add3A_142 = arith.addi %mul3A_140, %add3A_141 : i32
      %mul3A_143 = arith.constant 8 : i32
      %mul3A_144 = arith.muli %add3A_142, %mul3A_143 : i32
      %dma_wait3A_145 = arith.constant 0 : i32
      %dma_wait3A_146 = arith.constant 0 : i32
      %dma_wait3A_147 = arith.constant 0 : i32
      %dma_wait3A_148 = tpu.memref_slice %arg6[%dma_wait3A_145, %dma_wait3A_146, %dma_wait3A_147] : memref<4x8x2048xf32, #tpu.memory_space<vmem>> -> memref<1x8x2048xf32, #tpu.memory_space<vmem>>
      %dma_wait3A_149 = tpu.memref_squeeze %dma_wait3A_148 : memref<1x8x2048xf32, #tpu.memory_space<vmem>> -> memref<8x2048xf32, #tpu.memory_space<vmem>>
      %dma_wait3A_150 = tpu.memref_slice %arg5[%mul3A_144] : memref<512xi32, #tpu.memory_space<vmem>> -> memref<8xi32, #tpu.memory_space<vmem>>
      %dma_wait3A_151 = arith.constant 0 : i32
      %dma_wait3A_152 = arith.constant 0 : i32
      %dma_wait3A_153 = tpu.memref_slice %arg3[%dma_wait3A_151, %dma_wait3A_152] : memref<128256x2048xf32, #tpu.memory_space<hbm>> -> memref<128256x2048xf32, #tpu.memory_space<hbm>>
      tpu.wait_indirect_dma semaphore(%arg8 : memref<!tpu.dma_semaphore, #tpu.memory_space<semaphore_mem>>) src(%dma_wait3A_153 : memref<128256x2048xf32, #tpu.memory_space<hbm>>) dst(%dma_wait3A_149 : memref<8x2048xf32, #tpu.memory_space<vmem>>)
      %mul3A_154 = arith.constant 8 : i32
      %mul3A_155 = arith.muli %add3A_142, %mul3A_154 : i32
      %add3A_156 = arith.addi %mul3A_32, %mul3A_155 : i32
      %dma_start3A_157 = arith.constant 0 : i32
      %dma_start3A_158 = arith.constant 0 : i32
      %dma_start3A_159 = arith.constant 0 : i32
      %dma_start3A_160 = tpu.memref_slice %arg6[%dma_start3A_157, %dma_start3A_158, %dma_start3A_159] : memref<4x8x2048xf32, #tpu.memory_space<vmem>> -> memref<1x8x2048xf32, #tpu.memory_space<vmem>>
      %dma_start3A_161 = tpu.memref_squeeze %dma_start3A_160 : memref<1x8x2048xf32, #tpu.memory_space<vmem>> -> memref<8x2048xf32, #tpu.memory_space<vmem>>
      %dma_start3A_162 = arith.constant 0 : i32
      %dma_start3A_163 = tpu.memref_slice %arg4[%select_n3A, %add3A_156, %dma_start3A_162] : memref<4x4096x2048xf32, #tpu.memory_space<hbm>> -> memref<1x8x2048xf32, #tpu.memory_space<hbm>>
      %dma_start3A_164 = tpu.memref_squeeze %dma_start3A_163 : memref<1x8x2048xf32, #tpu.memory_space<hbm>> -> memref<8x2048xf32, #tpu.memory_space<hbm>>
      %dma_start3A_165 = arith.constant 0 : i32
      %dma_start3A_166 = tpu.memref_slice %arg4[%select_n3A, %add3A_156, %dma_start3A_165] : memref<4x4096x2048xf32, #tpu.memory_space<hbm>> -> memref<1x8x2048xf32, #tpu.memory_space<hbm>>
      %dma_start3A_167 = tpu.memref_squeeze %dma_start3A_166 : memref<1x8x2048xf32, #tpu.memory_space<hbm>> -> memref<8x2048xf32, #tpu.memory_space<hbm>>
      %dma_start3A_168 = arith.constant 0 : i32
      %dma_start3A_169 = arith.constant 0 : i32
      %dma_start3A_170 = tpu.memref_slice %arg6[%dma_start3A_157, %dma_start3A_168, %dma_start3A_169] : memref<4x8x2048xf32, #tpu.memory_space<vmem>> -> memref<1x8x2048xf32, #tpu.memory_space<vmem>>
      %dma_start3A_171 = tpu.memref_squeeze %dma_start3A_170 : memref<1x8x2048xf32, #tpu.memory_space<vmem>> -> memref<8x2048xf32, #tpu.memory_space<vmem>>
      tpu.enqueue_dma source(%dma_start3A_171 : memref<8x2048xf32, #tpu.memory_space<vmem>>) target(%dma_start3A_167 : memref<8x2048xf32, #tpu.memory_space<hbm>>) target_semaphore(%arg11 : memref<!tpu.dma_semaphore, #tpu.memory_space<semaphore_mem>>)
      %lt3A_172 = arith.constant 15 : i32
      %lt3A_173 = arith.cmpi slt, %scan3A_138, %lt3A_172 : i32
      %convert_element_type3A = arith.extui %lt3A_173 : i1 to i32
      %cond3A = arith.constant 0 : i32
      %cond3A_174 = arith.cmpi ne, %convert_element_type3A, %cond3A : i32
      scf.if %cond3A_174 {
        %mul3A_465 = arith.constant 8 : i32
        %mul3A_466 = arith.muli %add3A_142, %mul3A_465 : i32
        %add3A_467 = arith.addi %mul3A_32, %mul3A_466 : i32
        %dma_wait3A_468 = arith.constant 0 : i32
        %dma_wait3A_469 = arith.constant 0 : i32
        %dma_wait3A_470 = arith.constant 0 : i32
        %dma_wait3A_471 = tpu.memref_slice %arg6[%dma_wait3A_468, %dma_wait3A_469, %dma_wait3A_470] : memref<4x8x2048xf32, #tpu.memory_space<vmem>> -> memref<1x8x2048xf32, #tpu.memory_space<vmem>>
        %dma_wait3A_472 = tpu.memref_squeeze %dma_wait3A_471 : memref<1x8x2048xf32, #tpu.memory_space<vmem>> -> memref<8x2048xf32, #tpu.memory_space<vmem>>
        %dma_wait3A_473 = arith.constant 0 : i32
        %dma_wait3A_474 = tpu.memref_slice %arg4[%select_n3A, %add3A_467, %dma_wait3A_473] : memref<4x4096x2048xf32, #tpu.memory_space<hbm>> -> memref<1x8x2048xf32, #tpu.memory_space<hbm>>
        %dma_wait3A_475 = tpu.memref_squeeze %dma_wait3A_474 : memref<1x8x2048xf32, #tpu.memory_space<hbm>> -> memref<8x2048xf32, #tpu.memory_space<hbm>>
        %dma_wait3A_476 = arith.constant 0 : i32
        %dma_wait3A_477 = tpu.memref_slice %arg4[%select_n3A, %add3A_467, %dma_wait3A_476] : memref<4x4096x2048xf32, #tpu.memory_space<hbm>> -> memref<1x8x2048xf32, #tpu.memory_space<hbm>>
        %dma_wait3A_478 = tpu.memref_squeeze %dma_wait3A_477 : memref<1x8x2048xf32, #tpu.memory_space<hbm>> -> memref<8x2048xf32, #tpu.memory_space<hbm>>
        %dma_wait3A_479 = arith.constant 0 : i32
        %dma_wait3A_480 = arith.constant 0 : i32
        %dma_wait3A_481 = tpu.memref_slice %arg6[%dma_wait3A_468, %dma_wait3A_479, %dma_wait3A_480] : memref<4x8x2048xf32, #tpu.memory_space<vmem>> -> memref<1x8x2048xf32, #tpu.memory_space<vmem>>
        %dma_wait3A_482 = tpu.memref_squeeze %dma_wait3A_481 : memref<1x8x2048xf32, #tpu.memory_space<vmem>> -> memref<8x2048xf32, #tpu.memory_space<vmem>>
        tpu.wait_dma2 semaphore(%arg11 : memref<!tpu.dma_semaphore, #tpu.memory_space<semaphore_mem>>) src(%dma_wait3A_482 : memref<8x2048xf32, #tpu.memory_space<vmem>>) dst(%dma_wait3A_478 : memref<8x2048xf32, #tpu.memory_space<hbm>>)
        %add3A_483 = arith.constant 4 : i32
        %add3A_484 = arith.addi %add3A_142, %add3A_483 : i32
        %mul3A_485 = arith.constant 8 : i32
        %mul3A_486 = arith.muli %add3A_484, %mul3A_485 : i32
        %dma_start3A_487 = arith.constant 0 : i32
        %dma_start3A_488 = arith.constant 0 : i32
        %dma_start3A_489 = arith.constant 0 : i32
        %dma_start3A_490 = tpu.memref_slice %arg6[%dma_start3A_487, %dma_start3A_488, %dma_start3A_489] : memref<4x8x2048xf32, #tpu.memory_space<vmem>> -> memref<1x8x2048xf32, #tpu.memory_space<vmem>>
        %dma_start3A_491 = tpu.memref_squeeze %dma_start3A_490 : memref<1x8x2048xf32, #tpu.memory_space<vmem>> -> memref<8x2048xf32, #tpu.memory_space<vmem>>
        %dma_start3A_492 = tpu.memref_slice %arg5[%mul3A_486] : memref<512xi32, #tpu.memory_space<vmem>> -> memref<8xi32, #tpu.memory_space<vmem>>
        %dma_start3A_493 = arith.constant 0 : i32
        %dma_start3A_494 = arith.constant 0 : i32
        %dma_start3A_495 = tpu.memref_slice %arg3[%dma_start3A_493, %dma_start3A_494] : memref<128256x2048xf32, #tpu.memory_space<hbm>> -> memref<128256x2048xf32, #tpu.memory_space<hbm>>
        tpu.enqueue_indirect_dma source(%dma_start3A_495 : memref<128256x2048xf32, #tpu.memory_space<hbm>>) target(%dma_start3A_491 : memref<8x2048xf32, #tpu.memory_space<vmem>>) offsets(%dma_start3A_492 : memref<8xi32, #tpu.memory_space<vmem>>) semaphore(%arg8 : memref<!tpu.dma_semaphore, #tpu.memory_space<semaphore_mem>>)
      } else {
      }
      %mul3A_175 = arith.constant 4 : i32
      %mul3A_176 = arith.muli %scan3A_138, %mul3A_175 : i32
      %add3A_177 = arith.constant 1 : i32
      %add3A_178 = arith.addi %mul3A_176, %add3A_177 : i32
      %mul3A_179 = arith.constant 8 : i32
      %mul3A_180 = arith.muli %add3A_178, %mul3A_179 : i32
      %dma_wait3A_181 = arith.constant 1 : i32
      %dma_wait3A_182 = arith.constant 0 : i32
      %dma_wait3A_183 = arith.constant 0 : i32
      %dma_wait3A_184 = tpu.memref_slice %arg6[%dma_wait3A_181, %dma_wait3A_182, %dma_wait3A_183] : memref<4x8x2048xf32, #tpu.memory_space<vmem>> -> memref<1x8x2048xf32, #tpu.memory_space<vmem>>
      %dma_wait3A_185 = tpu.memref_squeeze %dma_wait3A_184 : memref<1x8x2048xf32, #tpu.memory_space<vmem>> -> memref<8x2048xf32, #tpu.memory_space<vmem>>
      %dma_wait3A_186 = tpu.memref_slice %arg5[%mul3A_180] : memref<512xi32, #tpu.memory_space<vmem>> -> memref<8xi32, #tpu.memory_space<vmem>>
      %dma_wait3A_187 = arith.constant 0 : i32
      %dma_wait3A_188 = arith.constant 0 : i32
      %dma_wait3A_189 = tpu.memref_slice %arg3[%dma_wait3A_187, %dma_wait3A_188] : memref<128256x2048xf32, #tpu.memory_space<hbm>> -> memref<128256x2048xf32, #tpu.memory_space<hbm>>
      tpu.wait_indirect_dma semaphore(%arg8 : memref<!tpu.dma_semaphore, #tpu.memory_space<semaphore_mem>>) src(%dma_wait3A_189 : memref<128256x2048xf32, #tpu.memory_space<hbm>>) dst(%dma_wait3A_185 : memref<8x2048xf32, #tpu.memory_space<vmem>>)
      %gt3A = arith.constant 0 : i32
      %gt3A_190 = arith.cmpi sgt, %scan3A_138, %gt3A : i32
      %convert_element_type3A_191 = arith.extui %gt3A_190 : i1 to i32
      %cond3A_192 = arith.constant 0 : i32
      %cond3A_193 = arith.cmpi ne, %convert_element_type3A_191, %cond3A_192 : i32
      scf.if %cond3A_193 {
        %mul3A_465 = arith.constant 8 : i32
        %mul3A_466 = arith.muli %add3A_178, %mul3A_465 : i32
        %add3A_467 = arith.addi %mul3A_32, %mul3A_466 : i32
        %dma_wait3A_468 = arith.constant 0 : i32
        %dma_wait3A_469 = arith.constant 0 : i32
        %dma_wait3A_470 = tpu.memref_slice %arg4[%select_n3A, %add3A_467, %dma_wait3A_469] : memref<4x4096x2048xf32, #tpu.memory_space<hbm>> -> memref<1x8x2048xf32, #tpu.memory_space<hbm>>
        %dma_wait3A_471 = tpu.memref_squeeze %dma_wait3A_470 : memref<1x8x2048xf32, #tpu.memory_space<hbm>> -> memref<8x2048xf32, #tpu.memory_space<hbm>>
        %dma_wait3A_472 = arith.constant 0 : i32
        %dma_wait3A_473 = arith.constant 0 : i32
        %dma_wait3A_474 = arith.constant 0 : i32
        %dma_wait3A_475 = tpu.memref_slice %arg7[%arg1, %dma_wait3A_472, %dma_wait3A_473, %dma_wait3A_474] : memref<16x3x8x2048xf32, #tpu.memory_space<vmem_shared>> -> memref<1x3x8x2048xf32, #tpu.memory_space<vmem_shared>>
        %dma_wait3A_476 = tpu.memref_squeeze %dma_wait3A_475 : memref<1x3x8x2048xf32, #tpu.memory_space<vmem_shared>> -> memref<3x8x2048xf32, #tpu.memory_space<vmem_shared>>
        %dma_wait3A_477 = arith.constant 0 : i32
        %dma_wait3A_478 = arith.constant 0 : i32
        %dma_wait3A_479 = tpu.memref_slice %dma_wait3A_476[%dma_wait3A_468, %dma_wait3A_477, %dma_wait3A_478] : memref<3x8x2048xf32, #tpu.memory_space<vmem_shared>> -> memref<1x8x2048xf32, #tpu.memory_space<vmem_shared>>
        %dma_wait3A_480 = tpu.memref_squeeze %dma_wait3A_479 : memref<1x8x2048xf32, #tpu.memory_space<vmem_shared>> -> memref<8x2048xf32, #tpu.memory_space<vmem_shared>>
        tpu.wait_dma2 semaphore(%arg10 : memref<!tpu.dma_semaphore, #tpu.memory_space<semaphore_mem>>) src(%dma_wait3A_480 : memref<8x2048xf32, #tpu.memory_space<vmem_shared>>) dst(%dma_wait3A_471 : memref<8x2048xf32, #tpu.memory_space<hbm>>)
      } else {
      }
      %dma_start3A_194 = arith.constant 1 : i32
      %dma_start3A_195 = arith.constant 0 : i32
      %dma_start3A_196 = arith.constant 0 : i32
      %dma_start3A_197 = arith.constant 0 : i32
      %dma_start3A_198 = tpu.memref_slice %arg6[%dma_start3A_194, %dma_start3A_196, %dma_start3A_197] : memref<4x8x2048xf32, #tpu.memory_space<vmem>> -> memref<1x8x2048xf32, #tpu.memory_space<vmem>>
      %dma_start3A_199 = tpu.memref_squeeze %dma_start3A_198 : memref<1x8x2048xf32, #tpu.memory_space<vmem>> -> memref<8x2048xf32, #tpu.memory_space<vmem>>
      %dma_start3A_200 = arith.constant 0 : i32
      %dma_start3A_201 = arith.constant 0 : i32
      %dma_start3A_202 = arith.constant 0 : i32
      %dma_start3A_203 = tpu.memref_slice %arg7[%arg1, %dma_start3A_200, %dma_start3A_201, %dma_start3A_202] : memref<16x3x8x2048xf32, #tpu.memory_space<vmem_shared>> -> memref<1x3x8x2048xf32, #tpu.memory_space<vmem_shared>>
      %dma_start3A_204 = tpu.memref_squeeze %dma_start3A_203 : memref<1x3x8x2048xf32, #tpu.memory_space<vmem_shared>> -> memref<3x8x2048xf32, #tpu.memory_space<vmem_shared>>
      %dma_start3A_205 = arith.constant 0 : i32
      %dma_start3A_206 = arith.constant 0 : i32
      %dma_start3A_207 = tpu.memref_slice %dma_start3A_204[%dma_start3A_195, %dma_start3A_205, %dma_start3A_206] : memref<3x8x2048xf32, #tpu.memory_space<vmem_shared>> -> memref<1x8x2048xf32, #tpu.memory_space<vmem_shared>>
      %dma_start3A_208 = tpu.memref_squeeze %dma_start3A_207 : memref<1x8x2048xf32, #tpu.memory_space<vmem_shared>> -> memref<8x2048xf32, #tpu.memory_space<vmem_shared>>
      %dma_start3A_209 = arith.constant 0 : i32
      %dma_start3A_210 = arith.constant 0 : i32
      %dma_start3A_211 = arith.constant 0 : i32
      %dma_start3A_212 = tpu.memref_slice %arg7[%arg1, %dma_start3A_209, %dma_start3A_210, %dma_start3A_211] : memref<16x3x8x2048xf32, #tpu.memory_space<vmem_shared>> -> memref<1x3x8x2048xf32, #tpu.memory_space<vmem_shared>>
      %dma_start3A_213 = tpu.memref_squeeze %dma_start3A_212 : memref<1x3x8x2048xf32, #tpu.memory_space<vmem_shared>> -> memref<3x8x2048xf32, #tpu.memory_space<vmem_shared>>
      %dma_start3A_214 = arith.constant 0 : i32
      %dma_start3A_215 = arith.constant 0 : i32
      %dma_start3A_216 = tpu.memref_slice %dma_start3A_213[%dma_start3A_195, %dma_start3A_214, %dma_start3A_215] : memref<3x8x2048xf32, #tpu.memory_space<vmem_shared>> -> memref<1x8x2048xf32, #tpu.memory_space<vmem_shared>>
      %dma_start3A_217 = tpu.memref_squeeze %dma_start3A_216 : memref<1x8x2048xf32, #tpu.memory_space<vmem_shared>> -> memref<8x2048xf32, #tpu.memory_space<vmem_shared>>
      %dma_start3A_218 = arith.constant 0 : i32
      %dma_start3A_219 = arith.constant 0 : i32
      %dma_start3A_220 = tpu.memref_slice %arg6[%dma_start3A_194, %dma_start3A_218, %dma_start3A_219] : memref<4x8x2048xf32, #tpu.memory_space<vmem>> -> memref<1x8x2048xf32, #tpu.memory_space<vmem>>
      %dma_start3A_221 = tpu.memref_squeeze %dma_start3A_220 : memref<1x8x2048xf32, #tpu.memory_space<vmem>> -> memref<8x2048xf32, #tpu.memory_space<vmem>>
      tpu.enqueue_dma source(%dma_start3A_221 : memref<8x2048xf32, #tpu.memory_space<vmem>>) target(%dma_start3A_217 : memref<8x2048xf32, #tpu.memory_space<vmem_shared>>) target_semaphore(%arg9 : memref<!tpu.dma_semaphore, #tpu.memory_space<semaphore_mem>>)
      %dma_wait3A_222 = arith.constant 1 : i32
      %dma_wait3A_223 = arith.constant 0 : i32
      %dma_wait3A_224 = arith.constant 0 : i32
      %dma_wait3A_225 = arith.constant 0 : i32
      %dma_wait3A_226 = tpu.memref_slice %arg6[%dma_wait3A_222, %dma_wait3A_224, %dma_wait3A_225] : memref<4x8x2048xf32, #tpu.memory_space<vmem>> -> memref<1x8x2048xf32, #tpu.memory_space<vmem>>
      %dma_wait3A_227 = tpu.memref_squeeze %dma_wait3A_226 : memref<1x8x2048xf32, #tpu.memory_space<vmem>> -> memref<8x2048xf32, #tpu.memory_space<vmem>>
      %dma_wait3A_228 = arith.constant 0 : i32
      %dma_wait3A_229 = arith.constant 0 : i32
      %dma_wait3A_230 = arith.constant 0 : i32
      %dma_wait3A_231 = tpu.memref_slice %arg7[%arg1, %dma_wait3A_228, %dma_wait3A_229, %dma_wait3A_230] : memref<16x3x8x2048xf32, #tpu.memory_space<vmem_shared>> -> memref<1x3x8x2048xf32, #tpu.memory_space<vmem_shared>>
      %dma_wait3A_232 = tpu.memref_squeeze %dma_wait3A_231 : memref<1x3x8x2048xf32, #tpu.memory_space<vmem_shared>> -> memref<3x8x2048xf32, #tpu.memory_space<vmem_shared>>
      %dma_wait3A_233 = arith.constant 0 : i32
      %dma_wait3A_234 = arith.constant 0 : i32
      %dma_wait3A_235 = tpu.memref_slice %dma_wait3A_232[%dma_wait3A_223, %dma_wait3A_233, %dma_wait3A_234] : memref<3x8x2048xf32, #tpu.memory_space<vmem_shared>> -> memref<1x8x2048xf32, #tpu.memory_space<vmem_shared>>
      %dma_wait3A_236 = tpu.memref_squeeze %dma_wait3A_235 : memref<1x8x2048xf32, #tpu.memory_space<vmem_shared>> -> memref<8x2048xf32, #tpu.memory_space<vmem_shared>>
      %dma_wait3A_237 = arith.constant 0 : i32
      %dma_wait3A_238 = arith.constant 0 : i32
      %dma_wait3A_239 = arith.constant 0 : i32
      %dma_wait3A_240 = tpu.memref_slice %arg7[%arg1, %dma_wait3A_237, %dma_wait3A_238, %dma_wait3A_239] : memref<16x3x8x2048xf32, #tpu.memory_space<vmem_shared>> -> memref<1x3x8x2048xf32, #tpu.memory_space<vmem_shared>>
      %dma_wait3A_241 = tpu.memref_squeeze %dma_wait3A_240 : memref<1x3x8x2048xf32, #tpu.memory_space<vmem_shared>> -> memref<3x8x2048xf32, #tpu.memory_space<vmem_shared>>
      %dma_wait3A_242 = arith.constant 0 : i32
      %dma_wait3A_243 = arith.constant 0 : i32
      %dma_wait3A_244 = tpu.memref_slice %dma_wait3A_241[%dma_wait3A_223, %dma_wait3A_242, %dma_wait3A_243] : memref<3x8x2048xf32, #tpu.memory_space<vmem_shared>> -> memref<1x8x2048xf32, #tpu.memory_space<vmem_shared>>
      %dma_wait3A_245 = tpu.memref_squeeze %dma_wait3A_244 : memref<1x8x2048xf32, #tpu.memory_space<vmem_shared>> -> memref<8x2048xf32, #tpu.memory_space<vmem_shared>>
      %dma_wait3A_246 = arith.constant 0 : i32
      %dma_wait3A_247 = arith.constant 0 : i32
      %dma_wait3A_248 = tpu.memref_slice %arg6[%dma_wait3A_222, %dma_wait3A_246, %dma_wait3A_247] : memref<4x8x2048xf32, #tpu.memory_space<vmem>> -> memref<1x8x2048xf32, #tpu.memory_space<vmem>>
      %dma_wait3A_249 = tpu.memref_squeeze %dma_wait3A_248 : memref<1x8x2048xf32, #tpu.memory_space<vmem>> -> memref<8x2048xf32, #tpu.memory_space<vmem>>
      tpu.wait_dma2 semaphore(%arg9 : memref<!tpu.dma_semaphore, #tpu.memory_space<semaphore_mem>>) src(%dma_wait3A_249 : memref<8x2048xf32, #tpu.memory_space<vmem>>) dst(%dma_wait3A_245 : memref<8x2048xf32, #tpu.memory_space<vmem_shared>>)
      %mul3A_250 = arith.constant 8 : i32
      %mul3A_251 = arith.muli %add3A_178, %mul3A_250 : i32
      %add3A_252 = arith.addi %mul3A_32, %mul3A_251 : i32
      %dma_start3A_253 = arith.constant 0 : i32
      %dma_start3A_254 = arith.constant 0 : i32
      %dma_start3A_255 = tpu.memref_slice %arg4[%select_n3A, %add3A_252, %dma_start3A_254] : memref<4x4096x2048xf32, #tpu.memory_space<hbm>> -> memref<1x8x2048xf32, #tpu.memory_space<hbm>>
      %dma_start3A_256 = tpu.memref_squeeze %dma_start3A_255 : memref<1x8x2048xf32, #tpu.memory_space<hbm>> -> memref<8x2048xf32, #tpu.memory_space<hbm>>
      %dma_start3A_257 = arith.constant 0 : i32
      %dma_start3A_258 = arith.constant 0 : i32
      %dma_start3A_259 = arith.constant 0 : i32
      %dma_start3A_260 = tpu.memref_slice %arg7[%arg1, %dma_start3A_257, %dma_start3A_258, %dma_start3A_259] : memref<16x3x8x2048xf32, #tpu.memory_space<vmem_shared>> -> memref<1x3x8x2048xf32, #tpu.memory_space<vmem_shared>>
      %dma_start3A_261 = tpu.memref_squeeze %dma_start3A_260 : memref<1x3x8x2048xf32, #tpu.memory_space<vmem_shared>> -> memref<3x8x2048xf32, #tpu.memory_space<vmem_shared>>
      %dma_start3A_262 = arith.constant 0 : i32
      %dma_start3A_263 = arith.constant 0 : i32
      %dma_start3A_264 = tpu.memref_slice %dma_start3A_261[%dma_start3A_253, %dma_start3A_262, %dma_start3A_263] : memref<3x8x2048xf32, #tpu.memory_space<vmem_shared>> -> memref<1x8x2048xf32, #tpu.memory_space<vmem_shared>>
      %dma_start3A_265 = tpu.memref_squeeze %dma_start3A_264 : memref<1x8x2048xf32, #tpu.memory_space<vmem_shared>> -> memref<8x2048xf32, #tpu.memory_space<vmem_shared>>
      tpu.enqueue_dma source(%dma_start3A_265 : memref<8x2048xf32, #tpu.memory_space<vmem_shared>>) target(%dma_start3A_256 : memref<8x2048xf32, #tpu.memory_space<hbm>>) target_semaphore(%arg10 : memref<!tpu.dma_semaphore, #tpu.memory_space<semaphore_mem>>)
      %lt3A_266 = arith.constant 15 : i32
      %lt3A_267 = arith.cmpi slt, %scan3A_138, %lt3A_266 : i32
      %convert_element_type3A_268 = arith.extui %lt3A_267 : i1 to i32
      %cond3A_269 = arith.constant 0 : i32
      %cond3A_270 = arith.cmpi ne, %convert_element_type3A_268, %cond3A_269 : i32
      scf.if %cond3A_270 {
        %add3A_465 = arith.constant 4 : i32
        %add3A_466 = arith.addi %add3A_178, %add3A_465 : i32
        %mul3A_467 = arith.constant 8 : i32
        %mul3A_468 = arith.muli %add3A_466, %mul3A_467 : i32
        %dma_start3A_469 = arith.constant 1 : i32
        %dma_start3A_470 = arith.constant 0 : i32
        %dma_start3A_471 = arith.constant 0 : i32
        %dma_start3A_472 = tpu.memref_slice %arg6[%dma_start3A_469, %dma_start3A_470, %dma_start3A_471] : memref<4x8x2048xf32, #tpu.memory_space<vmem>> -> memref<1x8x2048xf32, #tpu.memory_space<vmem>>
        %dma_start3A_473 = tpu.memref_squeeze %dma_start3A_472 : memref<1x8x2048xf32, #tpu.memory_space<vmem>> -> memref<8x2048xf32, #tpu.memory_space<vmem>>
        %dma_start3A_474 = tpu.memref_slice %arg5[%mul3A_468] : memref<512xi32, #tpu.memory_space<vmem>> -> memref<8xi32, #tpu.memory_space<vmem>>
        %dma_start3A_475 = arith.constant 0 : i32
        %dma_start3A_476 = arith.constant 0 : i32
        %dma_start3A_477 = tpu.memref_slice %arg3[%dma_start3A_475, %dma_start3A_476] : memref<128256x2048xf32, #tpu.memory_space<hbm>> -> memref<128256x2048xf32, #tpu.memory_space<hbm>>
        tpu.enqueue_indirect_dma source(%dma_start3A_477 : memref<128256x2048xf32, #tpu.memory_space<hbm>>) target(%dma_start3A_473 : memref<8x2048xf32, #tpu.memory_space<vmem>>) offsets(%dma_start3A_474 : memref<8xi32, #tpu.memory_space<vmem>>) semaphore(%arg8 : memref<!tpu.dma_semaphore, #tpu.memory_space<semaphore_mem>>)
      } else {
      }
      %mul3A_271 = arith.constant 4 : i32
      %mul3A_272 = arith.muli %scan3A_138, %mul3A_271 : i32
      %add3A_273 = arith.constant 2 : i32
      %add3A_274 = arith.addi %mul3A_272, %add3A_273 : i32
      %mul3A_275 = arith.constant 8 : i32
      %mul3A_276 = arith.muli %add3A_274, %mul3A_275 : i32
      %dma_wait3A_277 = arith.constant 2 : i32
      %dma_wait3A_278 = arith.constant 0 : i32
      %dma_wait3A_279 = arith.constant 0 : i32
      %dma_wait3A_280 = tpu.memref_slice %arg6[%dma_wait3A_277, %dma_wait3A_278, %dma_wait3A_279] : memref<4x8x2048xf32, #tpu.memory_space<vmem>> -> memref<1x8x2048xf32, #tpu.memory_space<vmem>>
      %dma_wait3A_281 = tpu.memref_squeeze %dma_wait3A_280 : memref<1x8x2048xf32, #tpu.memory_space<vmem>> -> memref<8x2048xf32, #tpu.memory_space<vmem>>
      %dma_wait3A_282 = tpu.memref_slice %arg5[%mul3A_276] : memref<512xi32, #tpu.memory_space<vmem>> -> memref<8xi32, #tpu.memory_space<vmem>>
      %dma_wait3A_283 = arith.constant 0 : i32
      %dma_wait3A_284 = arith.constant 0 : i32
      %dma_wait3A_285 = tpu.memref_slice %arg3[%dma_wait3A_283, %dma_wait3A_284] : memref<128256x2048xf32, #tpu.memory_space<hbm>> -> memref<128256x2048xf32, #tpu.memory_space<hbm>>
      tpu.wait_indirect_dma semaphore(%arg8 : memref<!tpu.dma_semaphore, #tpu.memory_space<semaphore_mem>>) src(%dma_wait3A_285 : memref<128256x2048xf32, #tpu.memory_space<hbm>>) dst(%dma_wait3A_281 : memref<8x2048xf32, #tpu.memory_space<vmem>>)
      %gt3A_286 = arith.constant 0 : i32
      %gt3A_287 = arith.cmpi sgt, %scan3A_138, %gt3A_286 : i32
      %convert_element_type3A_288 = arith.extui %gt3A_287 : i1 to i32
      %cond3A_289 = arith.constant 0 : i32
      %cond3A_290 = arith.cmpi ne, %convert_element_type3A_288, %cond3A_289 : i32
      scf.if %cond3A_290 {
        %mul3A_465 = arith.constant 8 : i32
        %mul3A_466 = arith.muli %add3A_274, %mul3A_465 : i32
        %add3A_467 = arith.addi %mul3A_32, %mul3A_466 : i32
        %dma_wait3A_468 = arith.constant 1 : i32
        %dma_wait3A_469 = arith.constant 0 : i32
        %dma_wait3A_470 = tpu.memref_slice %arg4[%select_n3A, %add3A_467, %dma_wait3A_469] : memref<4x4096x2048xf32, #tpu.memory_space<hbm>> -> memref<1x8x2048xf32, #tpu.memory_space<hbm>>
        %dma_wait3A_471 = tpu.memref_squeeze %dma_wait3A_470 : memref<1x8x2048xf32, #tpu.memory_space<hbm>> -> memref<8x2048xf32, #tpu.memory_space<hbm>>
        %dma_wait3A_472 = arith.constant 0 : i32
        %dma_wait3A_473 = arith.constant 0 : i32
        %dma_wait3A_474 = arith.constant 0 : i32
        %dma_wait3A_475 = tpu.memref_slice %arg7[%arg1, %dma_wait3A_472, %dma_wait3A_473, %dma_wait3A_474] : memref<16x3x8x2048xf32, #tpu.memory_space<vmem_shared>> -> memref<1x3x8x2048xf32, #tpu.memory_space<vmem_shared>>
        %dma_wait3A_476 = tpu.memref_squeeze %dma_wait3A_475 : memref<1x3x8x2048xf32, #tpu.memory_space<vmem_shared>> -> memref<3x8x2048xf32, #tpu.memory_space<vmem_shared>>
        %dma_wait3A_477 = arith.constant 0 : i32
        %dma_wait3A_478 = arith.constant 0 : i32
        %dma_wait3A_479 = tpu.memref_slice %dma_wait3A_476[%dma_wait3A_468, %dma_wait3A_477, %dma_wait3A_478] : memref<3x8x2048xf32, #tpu.memory_space<vmem_shared>> -> memref<1x8x2048xf32, #tpu.memory_space<vmem_shared>>
        %dma_wait3A_480 = tpu.memref_squeeze %dma_wait3A_479 : memref<1x8x2048xf32, #tpu.memory_space<vmem_shared>> -> memref<8x2048xf32, #tpu.memory_space<vmem_shared>>
        tpu.wait_dma2 semaphore(%arg10 : memref<!tpu.dma_semaphore, #tpu.memory_space<semaphore_mem>>) src(%dma_wait3A_480 : memref<8x2048xf32, #tpu.memory_space<vmem_shared>>) dst(%dma_wait3A_471 : memref<8x2048xf32, #tpu.memory_space<hbm>>)
      } else {
      }
      %dma_start3A_291 = arith.constant 2 : i32
      %dma_start3A_292 = arith.constant 1 : i32
      %dma_start3A_293 = arith.constant 0 : i32
      %dma_start3A_294 = arith.constant 0 : i32
      %dma_start3A_295 = tpu.memref_slice %arg6[%dma_start3A_291, %dma_start3A_293, %dma_start3A_294] : memref<4x8x2048xf32, #tpu.memory_space<vmem>> -> memref<1x8x2048xf32, #tpu.memory_space<vmem>>
      %dma_start3A_296 = tpu.memref_squeeze %dma_start3A_295 : memref<1x8x2048xf32, #tpu.memory_space<vmem>> -> memref<8x2048xf32, #tpu.memory_space<vmem>>
      %dma_start3A_297 = arith.constant 0 : i32
      %dma_start3A_298 = arith.constant 0 : i32
      %dma_start3A_299 = arith.constant 0 : i32
      %dma_start3A_300 = tpu.memref_slice %arg7[%arg1, %dma_start3A_297, %dma_start3A_298, %dma_start3A_299] : memref<16x3x8x2048xf32, #tpu.memory_space<vmem_shared>> -> memref<1x3x8x2048xf32, #tpu.memory_space<vmem_shared>>
      %dma_start3A_301 = tpu.memref_squeeze %dma_start3A_300 : memref<1x3x8x2048xf32, #tpu.memory_space<vmem_shared>> -> memref<3x8x2048xf32, #tpu.memory_space<vmem_shared>>
      %dma_start3A_302 = arith.constant 0 : i32
      %dma_start3A_303 = arith.constant 0 : i32
      %dma_start3A_304 = tpu.memref_slice %dma_start3A_301[%dma_start3A_292, %dma_start3A_302, %dma_start3A_303] : memref<3x8x2048xf32, #tpu.memory_space<vmem_shared>> -> memref<1x8x2048xf32, #tpu.memory_space<vmem_shared>>
      %dma_start3A_305 = tpu.memref_squeeze %dma_start3A_304 : memref<1x8x2048xf32, #tpu.memory_space<vmem_shared>> -> memref<8x2048xf32, #tpu.memory_space<vmem_shared>>
      %dma_start3A_306 = arith.constant 0 : i32
      %dma_start3A_307 = arith.constant 0 : i32
      %dma_start3A_308 = arith.constant 0 : i32
      %dma_start3A_309 = tpu.memref_slice %arg7[%arg1, %dma_start3A_306, %dma_start3A_307, %dma_start3A_308] : memref<16x3x8x2048xf32, #tpu.memory_space<vmem_shared>> -> memref<1x3x8x2048xf32, #tpu.memory_space<vmem_shared>>
      %dma_start3A_310 = tpu.memref_squeeze %dma_start3A_309 : memref<1x3x8x2048xf32, #tpu.memory_space<vmem_shared>> -> memref<3x8x2048xf32, #tpu.memory_space<vmem_shared>>
      %dma_start3A_311 = arith.constant 0 : i32
      %dma_start3A_312 = arith.constant 0 : i32
      %dma_start3A_313 = tpu.memref_slice %dma_start3A_310[%dma_start3A_292, %dma_start3A_311, %dma_start3A_312] : memref<3x8x2048xf32, #tpu.memory_space<vmem_shared>> -> memref<1x8x2048xf32, #tpu.memory_space<vmem_shared>>
      %dma_start3A_314 = tpu.memref_squeeze %dma_start3A_313 : memref<1x8x2048xf32, #tpu.memory_space<vmem_shared>> -> memref<8x2048xf32, #tpu.memory_space<vmem_shared>>
      %dma_start3A_315 = arith.constant 0 : i32
      %dma_start3A_316 = arith.constant 0 : i32
      %dma_start3A_317 = tpu.memref_slice %arg6[%dma_start3A_291, %dma_start3A_315, %dma_start3A_316] : memref<4x8x2048xf32, #tpu.memory_space<vmem>> -> memref<1x8x2048xf32, #tpu.memory_space<vmem>>
      %dma_start3A_318 = tpu.memref_squeeze %dma_start3A_317 : memref<1x8x2048xf32, #tpu.memory_space<vmem>> -> memref<8x2048xf32, #tpu.memory_space<vmem>>
      tpu.enqueue_dma source(%dma_start3A_318 : memref<8x2048xf32, #tpu.memory_space<vmem>>) target(%dma_start3A_314 : memref<8x2048xf32, #tpu.memory_space<vmem_shared>>) target_semaphore(%arg9 : memref<!tpu.dma_semaphore, #tpu.memory_space<semaphore_mem>>)
      %dma_wait3A_319 = arith.constant 2 : i32
      %dma_wait3A_320 = arith.constant 1 : i32
      %dma_wait3A_321 = arith.constant 0 : i32
      %dma_wait3A_322 = arith.constant 0 : i32
      %dma_wait3A_323 = tpu.memref_slice %arg6[%dma_wait3A_319, %dma_wait3A_321, %dma_wait3A_322] : memref<4x8x2048xf32, #tpu.memory_space<vmem>> -> memref<1x8x2048xf32, #tpu.memory_space<vmem>>
      %dma_wait3A_324 = tpu.memref_squeeze %dma_wait3A_323 : memref<1x8x2048xf32, #tpu.memory_space<vmem>> -> memref<8x2048xf32, #tpu.memory_space<vmem>>
      %dma_wait3A_325 = arith.constant 0 : i32
      %dma_wait3A_326 = arith.constant 0 : i32
      %dma_wait3A_327 = arith.constant 0 : i32
      %dma_wait3A_328 = tpu.memref_slice %arg7[%arg1, %dma_wait3A_325, %dma_wait3A_326, %dma_wait3A_327] : memref<16x3x8x2048xf32, #tpu.memory_space<vmem_shared>> -> memref<1x3x8x2048xf32, #tpu.memory_space<vmem_shared>>
      %dma_wait3A_329 = tpu.memref_squeeze %dma_wait3A_328 : memref<1x3x8x2048xf32, #tpu.memory_space<vmem_shared>> -> memref<3x8x2048xf32, #tpu.memory_space<vmem_shared>>
      %dma_wait3A_330 = arith.constant 0 : i32
      %dma_wait3A_331 = arith.constant 0 : i32
      %dma_wait3A_332 = tpu.memref_slice %dma_wait3A_329[%dma_wait3A_320, %dma_wait3A_330, %dma_wait3A_331] : memref<3x8x2048xf32, #tpu.memory_space<vmem_shared>> -> memref<1x8x2048xf32, #tpu.memory_space<vmem_shared>>
      %dma_wait3A_333 = tpu.memref_squeeze %dma_wait3A_332 : memref<1x8x2048xf32, #tpu.memory_space<vmem_shared>> -> memref<8x2048xf32, #tpu.memory_space<vmem_shared>>
      %dma_wait3A_334 = arith.constant 0 : i32
      %dma_wait3A_335 = arith.constant 0 : i32
      %dma_wait3A_336 = arith.constant 0 : i32
      %dma_wait3A_337 = tpu.memref_slice %arg7[%arg1, %dma_wait3A_334, %dma_wait3A_335, %dma_wait3A_336] : memref<16x3x8x2048xf32, #tpu.memory_space<vmem_shared>> -> memref<1x3x8x2048xf32, #tpu.memory_space<vmem_shared>>
      %dma_wait3A_338 = tpu.memref_squeeze %dma_wait3A_337 : memref<1x3x8x2048xf32, #tpu.memory_space<vmem_shared>> -> memref<3x8x2048xf32, #tpu.memory_space<vmem_shared>>
      %dma_wait3A_339 = arith.constant 0 : i32
      %dma_wait3A_340 = arith.constant 0 : i32
      %dma_wait3A_341 = tpu.memref_slice %dma_wait3A_338[%dma_wait3A_320, %dma_wait3A_339, %dma_wait3A_340] : memref<3x8x2048xf32, #tpu.memory_space<vmem_shared>> -> memref<1x8x2048xf32, #tpu.memory_space<vmem_shared>>
      %dma_wait3A_342 = tpu.memref_squeeze %dma_wait3A_341 : memref<1x8x2048xf32, #tpu.memory_space<vmem_shared>> -> memref<8x2048xf32, #tpu.memory_space<vmem_shared>>
      %dma_wait3A_343 = arith.constant 0 : i32
      %dma_wait3A_344 = arith.constant 0 : i32
      %dma_wait3A_345 = tpu.memref_slice %arg6[%dma_wait3A_319, %dma_wait3A_343, %dma_wait3A_344] : memref<4x8x2048xf32, #tpu.memory_space<vmem>> -> memref<1x8x2048xf32, #tpu.memory_space<vmem>>
      %dma_wait3A_346 = tpu.memref_squeeze %dma_wait3A_345 : memref<1x8x2048xf32, #tpu.memory_space<vmem>> -> memref<8x2048xf32, #tpu.memory_space<vmem>>
      tpu.wait_dma2 semaphore(%arg9 : memref<!tpu.dma_semaphore, #tpu.memory_space<semaphore_mem>>) src(%dma_wait3A_346 : memref<8x2048xf32, #tpu.memory_space<vmem>>) dst(%dma_wait3A_342 : memref<8x2048xf32, #tpu.memory_space<vmem_shared>>)
      %mul3A_347 = arith.constant 8 : i32
      %mul3A_348 = arith.muli %add3A_274, %mul3A_347 : i32
      %add3A_349 = arith.addi %mul3A_32, %mul3A_348 : i32
      %dma_start3A_350 = arith.constant 1 : i32
      %dma_start3A_351 = arith.constant 0 : i32
      %dma_start3A_352 = tpu.memref_slice %arg4[%select_n3A, %add3A_349, %dma_start3A_351] : memref<4x4096x2048xf32, #tpu.memory_space<hbm>> -> memref<1x8x2048xf32, #tpu.memory_space<hbm>>
      %dma_start3A_353 = tpu.memref_squeeze %dma_start3A_352 : memref<1x8x2048xf32, #tpu.memory_space<hbm>> -> memref<8x2048xf32, #tpu.memory_space<hbm>>
      %dma_start3A_354 = arith.constant 0 : i32
      %dma_start3A_355 = arith.constant 0 : i32
      %dma_start3A_356 = arith.constant 0 : i32
      %dma_start3A_357 = tpu.memref_slice %arg7[%arg1, %dma_start3A_354, %dma_start3A_355, %dma_start3A_356] : memref<16x3x8x2048xf32, #tpu.memory_space<vmem_shared>> -> memref<1x3x8x2048xf32, #tpu.memory_space<vmem_shared>>
      %dma_start3A_358 = tpu.memref_squeeze %dma_start3A_357 : memref<1x3x8x2048xf32, #tpu.memory_space<vmem_shared>> -> memref<3x8x2048xf32, #tpu.memory_space<vmem_shared>>
      %dma_start3A_359 = arith.constant 0 : i32
      %dma_start3A_360 = arith.constant 0 : i32
      %dma_start3A_361 = tpu.memref_slice %dma_start3A_358[%dma_start3A_350, %dma_start3A_359, %dma_start3A_360] : memref<3x8x2048xf32, #tpu.memory_space<vmem_shared>> -> memref<1x8x2048xf32, #tpu.memory_space<vmem_shared>>
      %dma_start3A_362 = tpu.memref_squeeze %dma_start3A_361 : memref<1x8x2048xf32, #tpu.memory_space<vmem_shared>> -> memref<8x2048xf32, #tpu.memory_space<vmem_shared>>
      tpu.enqueue_dma source(%dma_start3A_362 : memref<8x2048xf32, #tpu.memory_space<vmem_shared>>) target(%dma_start3A_353 : memref<8x2048xf32, #tpu.memory_space<hbm>>) target_semaphore(%arg10 : memref<!tpu.dma_semaphore, #tpu.memory_space<semaphore_mem>>)
      %lt3A_363 = arith.constant 15 : i32
      %lt3A_364 = arith.cmpi slt, %scan3A_138, %lt3A_363 : i32
      %convert_element_type3A_365 = arith.extui %lt3A_364 : i1 to i32
      %cond3A_366 = arith.constant 0 : i32
      %cond3A_367 = arith.cmpi ne, %convert_element_type3A_365, %cond3A_366 : i32
      scf.if %cond3A_367 {
        %add3A_465 = arith.constant 4 : i32
        %add3A_466 = arith.addi %add3A_274, %add3A_465 : i32
        %mul3A_467 = arith.constant 8 : i32
        %mul3A_468 = arith.muli %add3A_466, %mul3A_467 : i32
        %dma_start3A_469 = arith.constant 2 : i32
        %dma_start3A_470 = arith.constant 0 : i32
        %dma_start3A_471 = arith.constant 0 : i32
        %dma_start3A_472 = tpu.memref_slice %arg6[%dma_start3A_469, %dma_start3A_470, %dma_start3A_471] : memref<4x8x2048xf32, #tpu.memory_space<vmem>> -> memref<1x8x2048xf32, #tpu.memory_space<vmem>>
        %dma_start3A_473 = tpu.memref_squeeze %dma_start3A_472 : memref<1x8x2048xf32, #tpu.memory_space<vmem>> -> memref<8x2048xf32, #tpu.memory_space<vmem>>
        %dma_start3A_474 = tpu.memref_slice %arg5[%mul3A_468] : memref<512xi32, #tpu.memory_space<vmem>> -> memref<8xi32, #tpu.memory_space<vmem>>
        %dma_start3A_475 = arith.constant 0 : i32
        %dma_start3A_476 = arith.constant 0 : i32
        %dma_start3A_477 = tpu.memref_slice %arg3[%dma_start3A_475, %dma_start3A_476] : memref<128256x2048xf32, #tpu.memory_space<hbm>> -> memref<128256x2048xf32, #tpu.memory_space<hbm>>
        tpu.enqueue_indirect_dma source(%dma_start3A_477 : memref<128256x2048xf32, #tpu.memory_space<hbm>>) target(%dma_start3A_473 : memref<8x2048xf32, #tpu.memory_space<vmem>>) offsets(%dma_start3A_474 : memref<8xi32, #tpu.memory_space<vmem>>) semaphore(%arg8 : memref<!tpu.dma_semaphore, #tpu.memory_space<semaphore_mem>>)
      } else {
      }
      %mul3A_368 = arith.constant 4 : i32
      %mul3A_369 = arith.muli %scan3A_138, %mul3A_368 : i32
      %add3A_370 = arith.constant 3 : i32
      %add3A_371 = arith.addi %mul3A_369, %add3A_370 : i32
      %mul3A_372 = arith.constant 8 : i32
      %mul3A_373 = arith.muli %add3A_371, %mul3A_372 : i32
      %dma_wait3A_374 = arith.constant 3 : i32
      %dma_wait3A_375 = arith.constant 0 : i32
      %dma_wait3A_376 = arith.constant 0 : i32
      %dma_wait3A_377 = tpu.memref_slice %arg6[%dma_wait3A_374, %dma_wait3A_375, %dma_wait3A_376] : memref<4x8x2048xf32, #tpu.memory_space<vmem>> -> memref<1x8x2048xf32, #tpu.memory_space<vmem>>
      %dma_wait3A_378 = tpu.memref_squeeze %dma_wait3A_377 : memref<1x8x2048xf32, #tpu.memory_space<vmem>> -> memref<8x2048xf32, #tpu.memory_space<vmem>>
      %dma_wait3A_379 = tpu.memref_slice %arg5[%mul3A_373] : memref<512xi32, #tpu.memory_space<vmem>> -> memref<8xi32, #tpu.memory_space<vmem>>
      %dma_wait3A_380 = arith.constant 0 : i32
      %dma_wait3A_381 = arith.constant 0 : i32
      %dma_wait3A_382 = tpu.memref_slice %arg3[%dma_wait3A_380, %dma_wait3A_381] : memref<128256x2048xf32, #tpu.memory_space<hbm>> -> memref<128256x2048xf32, #tpu.memory_space<hbm>>
      tpu.wait_indirect_dma semaphore(%arg8 : memref<!tpu.dma_semaphore, #tpu.memory_space<semaphore_mem>>) src(%dma_wait3A_382 : memref<128256x2048xf32, #tpu.memory_space<hbm>>) dst(%dma_wait3A_378 : memref<8x2048xf32, #tpu.memory_space<vmem>>)
      %gt3A_383 = arith.constant 0 : i32
      %gt3A_384 = arith.cmpi sgt, %scan3A_138, %gt3A_383 : i32
      %convert_element_type3A_385 = arith.extui %gt3A_384 : i1 to i32
      %cond3A_386 = arith.constant 0 : i32
      %cond3A_387 = arith.cmpi ne, %convert_element_type3A_385, %cond3A_386 : i32
      scf.if %cond3A_387 {
        %mul3A_465 = arith.constant 8 : i32
        %mul3A_466 = arith.muli %add3A_371, %mul3A_465 : i32
        %add3A_467 = arith.addi %mul3A_32, %mul3A_466 : i32
        %dma_wait3A_468 = arith.constant 2 : i32
        %dma_wait3A_469 = arith.constant 0 : i32
        %dma_wait3A_470 = tpu.memref_slice %arg4[%select_n3A, %add3A_467, %dma_wait3A_469] : memref<4x4096x2048xf32, #tpu.memory_space<hbm>> -> memref<1x8x2048xf32, #tpu.memory_space<hbm>>
        %dma_wait3A_471 = tpu.memref_squeeze %dma_wait3A_470 : memref<1x8x2048xf32, #tpu.memory_space<hbm>> -> memref<8x2048xf32, #tpu.memory_space<hbm>>
        %dma_wait3A_472 = arith.constant 0 : i32
        %dma_wait3A_473 = arith.constant 0 : i32
        %dma_wait3A_474 = arith.constant 0 : i32
        %dma_wait3A_475 = tpu.memref_slice %arg7[%arg1, %dma_wait3A_472, %dma_wait3A_473, %dma_wait3A_474] : memref<16x3x8x2048xf32, #tpu.memory_space<vmem_shared>> -> memref<1x3x8x2048xf32, #tpu.memory_space<vmem_shared>>
        %dma_wait3A_476 = tpu.memref_squeeze %dma_wait3A_475 : memref<1x3x8x2048xf32, #tpu.memory_space<vmem_shared>> -> memref<3x8x2048xf32, #tpu.memory_space<vmem_shared>>
        %dma_wait3A_477 = arith.constant 0 : i32
        %dma_wait3A_478 = arith.constant 0 : i32
        %dma_wait3A_479 = tpu.memref_slice %dma_wait3A_476[%dma_wait3A_468, %dma_wait3A_477, %dma_wait3A_478] : memref<3x8x2048xf32, #tpu.memory_space<vmem_shared>> -> memref<1x8x2048xf32, #tpu.memory_space<vmem_shared>>
        %dma_wait3A_480 = tpu.memref_squeeze %dma_wait3A_479 : memref<1x8x2048xf32, #tpu.memory_space<vmem_shared>> -> memref<8x2048xf32, #tpu.memory_space<vmem_shared>>
        tpu.wait_dma2 semaphore(%arg10 : memref<!tpu.dma_semaphore, #tpu.memory_space<semaphore_mem>>) src(%dma_wait3A_480 : memref<8x2048xf32, #tpu.memory_space<vmem_shared>>) dst(%dma_wait3A_471 : memref<8x2048xf32, #tpu.memory_space<hbm>>)
      } else {
      }
      %dma_start3A_388 = arith.constant 3 : i32
      %dma_start3A_389 = arith.constant 2 : i32
      %dma_start3A_390 = arith.constant 0 : i32
      %dma_start3A_391 = arith.constant 0 : i32
      %dma_start3A_392 = tpu.memref_slice %arg6[%dma_start3A_388, %dma_start3A_390, %dma_start3A_391] : memref<4x8x2048xf32, #tpu.memory_space<vmem>> -> memref<1x8x2048xf32, #tpu.memory_space<vmem>>
      %dma_start3A_393 = tpu.memref_squeeze %dma_start3A_392 : memref<1x8x2048xf32, #tpu.memory_space<vmem>> -> memref<8x2048xf32, #tpu.memory_space<vmem>>
      %dma_start3A_394 = arith.constant 0 : i32
      %dma_start3A_395 = arith.constant 0 : i32
      %dma_start3A_396 = arith.constant 0 : i32
      %dma_start3A_397 = tpu.memref_slice %arg7[%arg1, %dma_start3A_394, %dma_start3A_395, %dma_start3A_396] : memref<16x3x8x2048xf32, #tpu.memory_space<vmem_shared>> -> memref<1x3x8x2048xf32, #tpu.memory_space<vmem_shared>>
      %dma_start3A_398 = tpu.memref_squeeze %dma_start3A_397 : memref<1x3x8x2048xf32, #tpu.memory_space<vmem_shared>> -> memref<3x8x2048xf32, #tpu.memory_space<vmem_shared>>
      %dma_start3A_399 = arith.constant 0 : i32
      %dma_start3A_400 = arith.constant 0 : i32
      %dma_start3A_401 = tpu.memref_slice %dma_start3A_398[%dma_start3A_389, %dma_start3A_399, %dma_start3A_400] : memref<3x8x2048xf32, #tpu.memory_space<vmem_shared>> -> memref<1x8x2048xf32, #tpu.memory_space<vmem_shared>>
      %dma_start3A_402 = tpu.memref_squeeze %dma_start3A_401 : memref<1x8x2048xf32, #tpu.memory_space<vmem_shared>> -> memref<8x2048xf32, #tpu.memory_space<vmem_shared>>
      %dma_start3A_403 = arith.constant 0 : i32
      %dma_start3A_404 = arith.constant 0 : i32
      %dma_start3A_405 = arith.constant 0 : i32
      %dma_start3A_406 = tpu.memref_slice %arg7[%arg1, %dma_start3A_403, %dma_start3A_404, %dma_start3A_405] : memref<16x3x8x2048xf32, #tpu.memory_space<vmem_shared>> -> memref<1x3x8x2048xf32, #tpu.memory_space<vmem_shared>>
      %dma_start3A_407 = tpu.memref_squeeze %dma_start3A_406 : memref<1x3x8x2048xf32, #tpu.memory_space<vmem_shared>> -> memref<3x8x2048xf32, #tpu.memory_space<vmem_shared>>
      %dma_start3A_408 = arith.constant 0 : i32
      %dma_start3A_409 = arith.constant 0 : i32
      %dma_start3A_410 = tpu.memref_slice %dma_start3A_407[%dma_start3A_389, %dma_start3A_408, %dma_start3A_409] : memref<3x8x2048xf32, #tpu.memory_space<vmem_shared>> -> memref<1x8x2048xf32, #tpu.memory_space<vmem_shared>>
      %dma_start3A_411 = tpu.memref_squeeze %dma_start3A_410 : memref<1x8x2048xf32, #tpu.memory_space<vmem_shared>> -> memref<8x2048xf32, #tpu.memory_space<vmem_shared>>
      %dma_start3A_412 = arith.constant 0 : i32
      %dma_start3A_413 = arith.constant 0 : i32
      %dma_start3A_414 = tpu.memref_slice %arg6[%dma_start3A_388, %dma_start3A_412, %dma_start3A_413] : memref<4x8x2048xf32, #tpu.memory_space<vmem>> -> memref<1x8x2048xf32, #tpu.memory_space<vmem>>
      %dma_start3A_415 = tpu.memref_squeeze %dma_start3A_414 : memref<1x8x2048xf32, #tpu.memory_space<vmem>> -> memref<8x2048xf32, #tpu.memory_space<vmem>>
      tpu.enqueue_dma source(%dma_start3A_415 : memref<8x2048xf32, #tpu.memory_space<vmem>>) target(%dma_start3A_411 : memref<8x2048xf32, #tpu.memory_space<vmem_shared>>) target_semaphore(%arg9 : memref<!tpu.dma_semaphore, #tpu.memory_space<semaphore_mem>>)
      %dma_wait3A_416 = arith.constant 3 : i32
      %dma_wait3A_417 = arith.constant 2 : i32
      %dma_wait3A_418 = arith.constant 0 : i32
      %dma_wait3A_419 = arith.constant 0 : i32
      %dma_wait3A_420 = tpu.memref_slice %arg6[%dma_wait3A_416, %dma_wait3A_418, %dma_wait3A_419] : memref<4x8x2048xf32, #tpu.memory_space<vmem>> -> memref<1x8x2048xf32, #tpu.memory_space<vmem>>
      %dma_wait3A_421 = tpu.memref_squeeze %dma_wait3A_420 : memref<1x8x2048xf32, #tpu.memory_space<vmem>> -> memref<8x2048xf32, #tpu.memory_space<vmem>>
      %dma_wait3A_422 = arith.constant 0 : i32
      %dma_wait3A_423 = arith.constant 0 : i32
      %dma_wait3A_424 = arith.constant 0 : i32
      %dma_wait3A_425 = tpu.memref_slice %arg7[%arg1, %dma_wait3A_422, %dma_wait3A_423, %dma_wait3A_424] : memref<16x3x8x2048xf32, #tpu.memory_space<vmem_shared>> -> memref<1x3x8x2048xf32, #tpu.memory_space<vmem_shared>>
      %dma_wait3A_426 = tpu.memref_squeeze %dma_wait3A_425 : memref<1x3x8x2048xf32, #tpu.memory_space<vmem_shared>> -> memref<3x8x2048xf32, #tpu.memory_space<vmem_shared>>
      %dma_wait3A_427 = arith.constant 0 : i32
      %dma_wait3A_428 = arith.constant 0 : i32
      %dma_wait3A_429 = tpu.memref_slice %dma_wait3A_426[%dma_wait3A_417, %dma_wait3A_427, %dma_wait3A_428] : memref<3x8x2048xf32, #tpu.memory_space<vmem_shared>> -> memref<1x8x2048xf32, #tpu.memory_space<vmem_shared>>
      %dma_wait3A_430 = tpu.memref_squeeze %dma_wait3A_429 : memref<1x8x2048xf32, #tpu.memory_space<vmem_shared>> -> memref<8x2048xf32, #tpu.memory_space<vmem_shared>>
      %dma_wait3A_431 = arith.constant 0 : i32
      %dma_wait3A_432 = arith.constant 0 : i32
      %dma_wait3A_433 = arith.constant 0 : i32
      %dma_wait3A_434 = tpu.memref_slice %arg7[%arg1, %dma_wait3A_431, %dma_wait3A_432, %dma_wait3A_433] : memref<16x3x8x2048xf32, #tpu.memory_space<vmem_shared>> -> memref<1x3x8x2048xf32, #tpu.memory_space<vmem_shared>>
      %dma_wait3A_435 = tpu.memref_squeeze %dma_wait3A_434 : memref<1x3x8x2048xf32, #tpu.memory_space<vmem_shared>> -> memref<3x8x2048xf32, #tpu.memory_space<vmem_shared>>
      %dma_wait3A_436 = arith.constant 0 : i32
      %dma_wait3A_437 = arith.constant 0 : i32
      %dma_wait3A_438 = tpu.memref_slice %dma_wait3A_435[%dma_wait3A_417, %dma_wait3A_436, %dma_wait3A_437] : memref<3x8x2048xf32, #tpu.memory_space<vmem_shared>> -> memref<1x8x2048xf32, #tpu.memory_space<vmem_shared>>
      %dma_wait3A_439 = tpu.memref_squeeze %dma_wait3A_438 : memref<1x8x2048xf32, #tpu.memory_space<vmem_shared>> -> memref<8x2048xf32, #tpu.memory_space<vmem_shared>>
      %dma_wait3A_440 = arith.constant 0 : i32
      %dma_wait3A_441 = arith.constant 0 : i32
      %dma_wait3A_442 = tpu.memref_slice %arg6[%dma_wait3A_416, %dma_wait3A_440, %dma_wait3A_441] : memref<4x8x2048xf32, #tpu.memory_space<vmem>> -> memref<1x8x2048xf32, #tpu.memory_space<vmem>>
      %dma_wait3A_443 = tpu.memref_squeeze %dma_wait3A_442 : memref<1x8x2048xf32, #tpu.memory_space<vmem>> -> memref<8x2048xf32, #tpu.memory_space<vmem>>
      tpu.wait_dma2 semaphore(%arg9 : memref<!tpu.dma_semaphore, #tpu.memory_space<semaphore_mem>>) src(%dma_wait3A_443 : memref<8x2048xf32, #tpu.memory_space<vmem>>) dst(%dma_wait3A_439 : memref<8x2048xf32, #tpu.memory_space<vmem_shared>>)
      %mul3A_444 = arith.constant 8 : i32
      %mul3A_445 = arith.muli %add3A_371, %mul3A_444 : i32
      %add3A_446 = arith.addi %mul3A_32, %mul3A_445 : i32
      %dma_start3A_447 = arith.constant 2 : i32
      %dma_start3A_448 = arith.constant 0 : i32
      %dma_start3A_449 = tpu.memref_slice %arg4[%select_n3A, %add3A_446, %dma_start3A_448] : memref<4x4096x2048xf32, #tpu.memory_space<hbm>> -> memref<1x8x2048xf32, #tpu.memory_space<hbm>>
      %dma_start3A_450 = tpu.memref_squeeze %dma_start3A_449 : memref<1x8x2048xf32, #tpu.memory_space<hbm>> -> memref<8x2048xf32, #tpu.memory_space<hbm>>
      %dma_start3A_451 = arith.constant 0 : i32
      %dma_start3A_452 = arith.constant 0 : i32
      %dma_start3A_453 = arith.constant 0 : i32
      %dma_start3A_454 = tpu.memref_slice %arg7[%arg1, %dma_start3A_451, %dma_start3A_452, %dma_start3A_453] : memref<16x3x8x2048xf32, #tpu.memory_space<vmem_shared>> -> memref<1x3x8x2048xf32, #tpu.memory_space<vmem_shared>>
      %dma_start3A_455 = tpu.memref_squeeze %dma_start3A_454 : memref<1x3x8x2048xf32, #tpu.memory_space<vmem_shared>> -> memref<3x8x2048xf32, #tpu.memory_space<vmem_shared>>
      %dma_start3A_456 = arith.constant 0 : i32
      %dma_start3A_457 = arith.constant 0 : i32
      %dma_start3A_458 = tpu.memref_slice %dma_start3A_455[%dma_start3A_447, %dma_start3A_456, %dma_start3A_457] : memref<3x8x2048xf32, #tpu.memory_space<vmem_shared>> -> memref<1x8x2048xf32, #tpu.memory_space<vmem_shared>>
      %dma_start3A_459 = tpu.memref_squeeze %dma_start3A_458 : memref<1x8x2048xf32, #tpu.memory_space<vmem_shared>> -> memref<8x2048xf32, #tpu.memory_space<vmem_shared>>
      tpu.enqueue_dma source(%dma_start3A_459 : memref<8x2048xf32, #tpu.memory_space<vmem_shared>>) target(%dma_start3A_450 : memref<8x2048xf32, #tpu.memory_space<hbm>>) target_semaphore(%arg10 : memref<!tpu.dma_semaphore, #tpu.memory_space<semaphore_mem>>)
      %lt3A_460 = arith.constant 15 : i32
      %lt3A_461 = arith.cmpi slt, %scan3A_138, %lt3A_460 : i32
      %convert_element_type3A_462 = arith.extui %lt3A_461 : i1 to i32
      %cond3A_463 = arith.constant 0 : i32
      %cond3A_464 = arith.cmpi ne, %convert_element_type3A_462, %cond3A_463 : i32
      scf.if %cond3A_464 {
        %add3A_465 = arith.constant 4 : i32
        %add3A_466 = arith.addi %add3A_371, %add3A_465 : i32
        %mul3A_467 = arith.constant 8 : i32
        %mul3A_468 = arith.muli %add3A_466, %mul3A_467 : i32
        %dma_start3A_469 = arith.constant 3 : i32
        %dma_start3A_470 = arith.constant 0 : i32
        %dma_start3A_471 = arith.constant 0 : i32
        %dma_start3A_472 = tpu.memref_slice %arg6[%dma_start3A_469, %dma_start3A_470, %dma_start3A_471] : memref<4x8x2048xf32, #tpu.memory_space<vmem>> -> memref<1x8x2048xf32, #tpu.memory_space<vmem>>
        %dma_start3A_473 = tpu.memref_squeeze %dma_start3A_472 : memref<1x8x2048xf32, #tpu.memory_space<vmem>> -> memref<8x2048xf32, #tpu.memory_space<vmem>>
        %dma_start3A_474 = tpu.memref_slice %arg5[%mul3A_468] : memref<512xi32, #tpu.memory_space<vmem>> -> memref<8xi32, #tpu.memory_space<vmem>>
        %dma_start3A_475 = arith.constant 0 : i32
        %dma_start3A_476 = arith.constant 0 : i32
        %dma_start3A_477 = tpu.memref_slice %arg3[%dma_start3A_475, %dma_start3A_476] : memref<128256x2048xf32, #tpu.memory_space<hbm>> -> memref<128256x2048xf32, #tpu.memory_space<hbm>>
        tpu.enqueue_indirect_dma source(%dma_start3A_477 : memref<128256x2048xf32, #tpu.memory_space<hbm>>) target(%dma_start3A_473 : memref<8x2048xf32, #tpu.memory_space<vmem>>) offsets(%dma_start3A_474 : memref<8xi32, #tpu.memory_space<vmem>>) semaphore(%arg8 : memref<!tpu.dma_semaphore, #tpu.memory_space<semaphore_mem>>)
      } else {
      }
    }
    %scan3A_76 = arith.constant 16 : i32
    %add3A_77 = arith.constant 0 : i32
    %add3A_78 = arith.addi %mul3A_32, %add3A_77 : i32
    %dma_wait3A = arith.constant 0 : i32
    %dma_wait3A_79 = arith.constant 0 : i32
    %dma_wait3A_80 = arith.constant 0 : i32
    %dma_wait3A_81 = tpu.memref_slice %arg6[%dma_wait3A, %dma_wait3A_79, %dma_wait3A_80] : memref<4x8x2048xf32, #tpu.memory_space<vmem>> -> memref<1x8x2048xf32, #tpu.memory_space<vmem>>
    %dma_wait3A_82 = tpu.memref_squeeze %dma_wait3A_81 : memref<1x8x2048xf32, #tpu.memory_space<vmem>> -> memref<8x2048xf32, #tpu.memory_space<vmem>>
    %dma_wait3A_83 = arith.constant 0 : i32
    %dma_wait3A_84 = tpu.memref_slice %arg4[%select_n3A, %add3A_78, %dma_wait3A_83] : memref<4x4096x2048xf32, #tpu.memory_space<hbm>> -> memref<1x8x2048xf32, #tpu.memory_space<hbm>>
    %dma_wait3A_85 = tpu.memref_squeeze %dma_wait3A_84 : memref<1x8x2048xf32, #tpu.memory_space<hbm>> -> memref<8x2048xf32, #tpu.memory_space<hbm>>
    %dma_wait3A_86 = arith.constant 0 : i32
    %dma_wait3A_87 = tpu.memref_slice %arg4[%select_n3A, %add3A_78, %dma_wait3A_86] : memref<4x4096x2048xf32, #tpu.memory_space<hbm>> -> memref<1x8x2048xf32, #tpu.memory_space<hbm>>
    %dma_wait3A_88 = tpu.memref_squeeze %dma_wait3A_87 : memref<1x8x2048xf32, #tpu.memory_space<hbm>> -> memref<8x2048xf32, #tpu.memory_space<hbm>>
    %dma_wait3A_89 = arith.constant 0 : i32
    %dma_wait3A_90 = arith.constant 0 : i32
    %dma_wait3A_91 = tpu.memref_slice %arg6[%dma_wait3A, %dma_wait3A_89, %dma_wait3A_90] : memref<4x8x2048xf32, #tpu.memory_space<vmem>> -> memref<1x8x2048xf32, #tpu.memory_space<vmem>>
    %dma_wait3A_92 = tpu.memref_squeeze %dma_wait3A_91 : memref<1x8x2048xf32, #tpu.memory_space<vmem>> -> memref<8x2048xf32, #tpu.memory_space<vmem>>
    tpu.wait_dma2 semaphore(%arg11 : memref<!tpu.dma_semaphore, #tpu.memory_space<semaphore_mem>>) src(%dma_wait3A_92 : memref<8x2048xf32, #tpu.memory_space<vmem>>) dst(%dma_wait3A_88 : memref<8x2048xf32, #tpu.memory_space<hbm>>)
    %add3A_93 = arith.constant 0 : i32
    %add3A_94 = arith.addi %mul3A_32, %add3A_93 : i32
    %dma_wait3A_95 = arith.constant 0 : i32
    %dma_wait3A_96 = arith.constant 0 : i32
    %dma_wait3A_97 = tpu.memref_slice %arg4[%select_n3A, %add3A_94, %dma_wait3A_96] : memref<4x4096x2048xf32, #tpu.memory_space<hbm>> -> memref<1x8x2048xf32, #tpu.memory_space<hbm>>
    %dma_wait3A_98 = tpu.memref_squeeze %dma_wait3A_97 : memref<1x8x2048xf32, #tpu.memory_space<hbm>> -> memref<8x2048xf32, #tpu.memory_space<hbm>>
    %dma_wait3A_99 = arith.constant 0 : i32
    %dma_wait3A_100 = arith.constant 0 : i32
    %dma_wait3A_101 = arith.constant 0 : i32
    %dma_wait3A_102 = tpu.memref_slice %arg7[%arg1, %dma_wait3A_99, %dma_wait3A_100, %dma_wait3A_101] : memref<16x3x8x2048xf32, #tpu.memory_space<vmem_shared>> -> memref<1x3x8x2048xf32, #tpu.memory_space<vmem_shared>>
    %dma_wait3A_103 = tpu.memref_squeeze %dma_wait3A_102 : memref<1x3x8x2048xf32, #tpu.memory_space<vmem_shared>> -> memref<3x8x2048xf32, #tpu.memory_space<vmem_shared>>
    %dma_wait3A_104 = arith.constant 0 : i32
    %dma_wait3A_105 = arith.constant 0 : i32
    %dma_wait3A_106 = tpu.memref_slice %dma_wait3A_103[%dma_wait3A_95, %dma_wait3A_104, %dma_wait3A_105] : memref<3x8x2048xf32, #tpu.memory_space<vmem_shared>> -> memref<1x8x2048xf32, #tpu.memory_space<vmem_shared>>
    %dma_wait3A_107 = tpu.memref_squeeze %dma_wait3A_106 : memref<1x8x2048xf32, #tpu.memory_space<vmem_shared>> -> memref<8x2048xf32, #tpu.memory_space<vmem_shared>>
    tpu.wait_dma2 semaphore(%arg10 : memref<!tpu.dma_semaphore, #tpu.memory_space<semaphore_mem>>) src(%dma_wait3A_107 : memref<8x2048xf32, #tpu.memory_space<vmem_shared>>) dst(%dma_wait3A_98 : memref<8x2048xf32, #tpu.memory_space<hbm>>)
    %add3A_108 = arith.constant 0 : i32
    %add3A_109 = arith.addi %mul3A_32, %add3A_108 : i32
    %dma_wait3A_110 = arith.constant 1 : i32
    %dma_wait3A_111 = arith.constant 0 : i32
    %dma_wait3A_112 = tpu.memref_slice %arg4[%select_n3A, %add3A_109, %dma_wait3A_111] : memref<4x4096x2048xf32, #tpu.memory_space<hbm>> -> memref<1x8x2048xf32, #tpu.memory_space<hbm>>
    %dma_wait3A_113 = tpu.memref_squeeze %dma_wait3A_112 : memref<1x8x2048xf32, #tpu.memory_space<hbm>> -> memref<8x2048xf32, #tpu.memory_space<hbm>>
    %dma_wait3A_114 = arith.constant 0 : i32
    %dma_wait3A_115 = arith.constant 0 : i32
    %dma_wait3A_116 = arith.constant 0 : i32
    %dma_wait3A_117 = tpu.memref_slice %arg7[%arg1, %dma_wait3A_114, %dma_wait3A_115, %dma_wait3A_116] : memref<16x3x8x2048xf32, #tpu.memory_space<vmem_shared>> -> memref<1x3x8x2048xf32, #tpu.memory_space<vmem_shared>>
    %dma_wait3A_118 = tpu.memref_squeeze %dma_wait3A_117 : memref<1x3x8x2048xf32, #tpu.memory_space<vmem_shared>> -> memref<3x8x2048xf32, #tpu.memory_space<vmem_shared>>
    %dma_wait3A_119 = arith.constant 0 : i32
    %dma_wait3A_120 = arith.constant 0 : i32
    %dma_wait3A_121 = tpu.memref_slice %dma_wait3A_118[%dma_wait3A_110, %dma_wait3A_119, %dma_wait3A_120] : memref<3x8x2048xf32, #tpu.memory_space<vmem_shared>> -> memref<1x8x2048xf32, #tpu.memory_space<vmem_shared>>
    %dma_wait3A_122 = tpu.memref_squeeze %dma_wait3A_121 : memref<1x8x2048xf32, #tpu.memory_space<vmem_shared>> -> memref<8x2048xf32, #tpu.memory_space<vmem_shared>>
    tpu.wait_dma2 semaphore(%arg10 : memref<!tpu.dma_semaphore, #tpu.memory_space<semaphore_mem>>) src(%dma_wait3A_122 : memref<8x2048xf32, #tpu.memory_space<vmem_shared>>) dst(%dma_wait3A_113 : memref<8x2048xf32, #tpu.memory_space<hbm>>)
    %add3A_123 = arith.constant 0 : i32
    %add3A_124 = arith.addi %mul3A_32, %add3A_123 : i32
    %dma_wait3A_125 = arith.constant 2 : i32
    %dma_wait3A_126 = arith.constant 0 : i32
    %dma_wait3A_127 = tpu.memref_slice %arg4[%select_n3A, %add3A_124, %dma_wait3A_126] : memref<4x4096x2048xf32, #tpu.memory_space<hbm>> -> memref<1x8x2048xf32, #tpu.memory_space<hbm>>
    %dma_wait3A_128 = tpu.memref_squeeze %dma_wait3A_127 : memref<1x8x2048xf32, #tpu.memory_space<hbm>> -> memref<8x2048xf32, #tpu.memory_space<hbm>>
    %dma_wait3A_129 = arith.constant 0 : i32
    %dma_wait3A_130 = arith.constant 0 : i32
    %dma_wait3A_131 = arith.constant 0 : i32
    %dma_wait3A_132 = tpu.memref_slice %arg7[%arg1, %dma_wait3A_129, %dma_wait3A_130, %dma_wait3A_131] : memref<16x3x8x2048xf32, #tpu.memory_space<vmem_shared>> -> memref<1x3x8x2048xf32, #tpu.memory_space<vmem_shared>>
    %dma_wait3A_133 = tpu.memref_squeeze %dma_wait3A_132 : memref<1x3x8x2048xf32, #tpu.memory_space<vmem_shared>> -> memref<3x8x2048xf32, #tpu.memory_space<vmem_shared>>
    %dma_wait3A_134 = arith.constant 0 : i32
    %dma_wait3A_135 = arith.constant 0 : i32
    %dma_wait3A_136 = tpu.memref_slice %dma_wait3A_133[%dma_wait3A_125, %dma_wait3A_134, %dma_wait3A_135] : memref<3x8x2048xf32, #tpu.memory_space<vmem_shared>> -> memref<1x8x2048xf32, #tpu.memory_space<vmem_shared>>
    %dma_wait3A_137 = tpu.memref_squeeze %dma_wait3A_136 : memref<1x8x2048xf32, #tpu.memory_space<vmem_shared>> -> memref<8x2048xf32, #tpu.memory_space<vmem_shared>>
    tpu.wait_dma2 semaphore(%arg10 : memref<!tpu.dma_semaphore, #tpu.memory_space<semaphore_mem>>) src(%dma_wait3A_137 : memref<8x2048xf32, #tpu.memory_space<vmem_shared>>) dst(%dma_wait3A_128 : memref<8x2048xf32, #tpu.memory_space<hbm>>)
    return
  }
}

</mosaic_0001>

<sc_bundles>
// kernel: kernel.3.cloned.1.call-start
scs
__scs_entry_jumppad:
0x0: {  	(pc) =	sbr.rel $0x88, $3  }
0x1: {  	(tag) =	ssettag $0x0;
	lr =	simm.s32 $0x1  }
0x2: {  	[smem:$0x3F9F] =	sst lr;
	_ =	strace $0xD0000000  }
0x3: {  	_ = 	snop  }
0x4: {  	_ = 	snop  }
0x5: {  	_ = 	snop  }
0x6: {  	_ = 	snop  }
0x7: {  	_ = 	snop  }
__scs_overlays_trampoline_lowered:
0x8: {  	[smem:$0x3FAE] =	sst s0  }
0x9: {  	[smem:$0x3FAF] =	sst s1  }
0xa: {  	[smem:$0x3FB0] =	sst s2  }
0xb: {  	[smem:$0x3FB1] =	sst s3  }
0xc: {  	[smem:$0x3FB2] =	sst s4  }
0xd: {  	[smem:$0x3FB3] =	sst s5  }
0xe: {  	[smem:$0x3FB4] =	sst s6  }
0xf: {  	[smem:$0x3FB5] =	sst s7  }
0x10: {  	[smem:$0x3FB6] =	sst s8  }
0x11: {  	[smem:$0x3FB7] =	sst s9;
	s0 =	simm.s32 @!p0 $0x0  }
0x12: {  	s1 =	sld [smem:$0x3F9D];
	s0 =	simm.s32 @p0 $0x1  }
0x13: {  	[smem:$0x3FB8] =	sst s0;
	s0 =	simm.s32 @!p1 $0x0  }
0x14: {  	s2 =	sld [smem:$0x3F9C];
	s0 =	simm.s32 @p1 $0x1  }
0x15: {  	[smem:$0x3FB9] =	sst s0;
	s0 =	simm.s32 @!p2 $0x0  }
0x16: {  	s3 =	sld [smem:$0x3FDB];
	s0 =	simm.s32 @p2 $0x1  }
0x17: {  	s4 =	simm.s32 $0x1BF5;
	[smem:$0x3FBB] =	sst s0  }
0x18: {  	s0 =	sld [smem:$0x3F9E];
	_ =	swait.ge [sflag:s4], $0x0  }
0x19: {  	s7 =	sld [smem:$0x3F9F]  }
0x1a: {  	s8 =	sadd.s32 $0xFFFFE003, lr  }
0x1b: {  	s9 =	sadd.s32 $0xFFFFFEF7, lr;
	s5 =	simm.s32 $0xFFFFFFFF;
	p2 =	slt.u32 s8, $0xFFFFF086  }
0x1c: {  	p1 =	slt.u32 s9, $0xF7A;
	s5 =	simm.s32 @!p2 $0x0  }
0x1d: {  	s5 =	simm.s32 @p1 $0x1;
	p0 =	seq.s32 s7, s2  }
0x1e: {  	s7 =	smul.u32 @!p0 $0xF7A, s2;
	p2 =	seq.s32 @!p0 s5, $0x0  }
0x1f: {  	s9 =	smul.u32 $0xF7A, s1;
	s8 =	simm.s32 @!p0 $0x1BF5;
	p2 =	por !p2, p0  }
0x20: {  	[sflag:s8] =	ssyncset.s32 @!p0 $0xFFFFF086;
	s6 =	sadd.s32 @!p0 s3, s7;
	s7 =	simm.s32 @!p0 $0x108  }
0x21: {  	s3 =	sadd.s32 s3, s9;
	s6 =	sadd.s32 @!p0 $0x88, s6;
	s7 =	simm.s32 @p2 $0x1082  }
0x22: {  	[simem:s7], [sflag:s8] =	dma.local @!p0 [hbm:s6], $0xF7A  }
0x23: {  	s9 =	sor.u32 $0xD0000000, s2;
	s6 =	simm.s32 $0x108;
	_ =	swait.ge @!p0 [sflag:s8], $0x0  }
0x24: {  	s3 =	sadd.s32 $0x88, s3;
	s6 =	simm.s32 @!p1 $0x1082;
	[sflag:s4] =	ssyncset.s32 $0xFFFFF086  }
0x25: {  	[simem:s6], [sflag:s4] =	dma.local [hbm:s3], $0xF7A  }
0x26: {  	[smem:$0x3F9F] =	sst s1;
	(tag) =	ssettag s2;
	_ =	strace s9  }
0x27: {  	s1 =	sld [smem:$0x3FAF]  }
0x28: {  	s2 =	sld [smem:$0x3FB0]  }
0x29: {  	s4 =	sld [smem:$0x3FB2]  }
0x2a: {  	p0 =	seq.s32 s5, $0x0;
	s5 =	sld [smem:$0x3FB3]  }
0x2b: {  	s6 =	sld [smem:$0x3FB4]  }
0x2c: {  	s7 =	sld [smem:$0x3FB5]  }
0x2d: {  	s3 =	simm.s32 $0x108;
	s8 =	sld [smem:$0x3FB6]  }
0x2e: {  	s3 =	simm.s32 @!p0 $0x1082;
	s9 =	sld [smem:$0x3FB7]  }
0x2f: {  	lr =	sadd.s32 s0, s3;
	s0 =	sld [smem:$0x3FAE]  }
0x30: {  	s3 =	sld [smem:$0x3FB1]  }
0x31: {  	[smem:$0x3FBA] =	sst s10  }
0x32: {  	s10 =	sld [smem:$0x3FB8];
	_ =	sdelay $0x3  }
0x33: {  	p0 =	seq.s32 s10, $0x1;
	s10 =	sld [smem:$0x3FBA];
	_ =	sdelay $0x3  }
0x34: {  	[smem:$0x3FBA] =	sst s10  }
0x35: {  	s10 =	sld [smem:$0x3FB9];
	_ =	sdelay $0x3  }
0x36: {  	p1 =	seq.s32 s10, $0x1;
	s10 =	sld [smem:$0x3FBA];
	_ =	sdelay $0x3  }
0x37: {  	[smem:$0x3FBA] =	sst s10  }
0x38: {  	s10 =	sld [smem:$0x3FBB]  }
0x39: {  	_ = 	snop;
	(pc) =	sbr.ind lr, $3  }
0x3a: {  	_ = 	snop  }
0x3b: {  	_ = 	snop  }
0x3c: {  	p2 =	seq.s32 s10, $0x1;
	s10 =	sld [smem:$0x3FBA]  }
0x3d: {  	_ =	shalt  }
0x3e: {  	_ =	shalt  }
0x3f: {  	_ =	shalt  }
0x40: {  	_ =	shalt  }
0x41: {  	_ =	shalt  }
0x42: {  	_ =	shalt  }
0x43: {  	_ =	shalt  }
0x44: {  	_ =	shalt  }
0x45: {  	_ =	shalt  }
0x46: {  	_ =	shalt  }
0x47: {  	_ =	shalt  }
0x48: {  	_ =	shalt  }
0x49: {  	_ =	shalt  }
0x4a: {  	_ =	shalt  }
0x4b: {  	_ =	shalt  }
0x4c: {  	_ =	shalt  }
0x4d: {  	_ =	shalt  }
0x4e: {  	_ =	shalt  }
0x4f: {  	_ =	shalt  }
0x50: {  	_ =	shalt  }
0x51: {  	_ =	shalt  }
0x52: {  	_ =	shalt  }
0x53: {  	_ =	shalt  }
0x54: {  	_ =	shalt  }
0x55: {  	_ =	shalt  }
0x56: {  	_ =	shalt  }
0x57: {  	_ =	shalt  }
0x58: {  	_ =	shalt  }
0x59: {  	_ =	shalt  }
0x5a: {  	_ =	shalt  }
0x5b: {  	_ =	shalt  }
0x5c: {  	_ =	shalt  }
0x5d: {  	_ =	shalt  }
0x5e: {  	_ =	shalt  }
0x5f: {  	_ =	shalt  }
0x60: {  	_ =	shalt  }
0x61: {  	_ =	shalt  }
0x62: {  	_ =	shalt  }
0x63: {  	_ =	shalt  }
0x64: {  	_ =	shalt  }
0x65: {  	_ =	shalt  }
0x66: {  	_ =	shalt  }
0x67: {  	_ =	shalt  }
0x68: {  	_ =	shalt  }
0x69: {  	_ =	shalt  }
0x6a: {  	_ =	shalt  }
0x6b: {  	_ =	shalt  }
0x6c: {  	_ =	shalt  }
0x6d: {  	_ =	shalt  }
0x6e: {  	_ =	shalt  }
0x6f: {  	_ =	shalt  }
0x70: {  	_ =	shalt  }
0x71: {  	_ =	shalt  }
0x72: {  	_ =	shalt  }
0x73: {  	_ =	shalt  }
0x74: {  	_ =	shalt  }
0x75: {  	_ =	shalt  }
0x76: {  	_ =	shalt  }
0x77: {  	_ =	shalt  }
0x78: {  	_ =	shalt  }
0x79: {  	_ =	shalt  }
0x7a: {  	_ =	shalt  }
0x7b: {  	_ =	shalt  }
0x7c: {  	_ =	shalt  }
0x7d: {  	_ =	shalt  }
0x7e: {  	_ =	shalt  }
0x7f: {  	_ =	shalt  }
0x80: {  	_ =	shalt  }
0x81: {  	_ =	shalt  }
0x82: {  	_ =	shalt  }
0x83: {  	_ =	shalt  }
0x84: {  	_ =	shalt  }
0x85: {  	_ =	shalt  }
0x86: {  	_ =	shalt  }
0x87: {  	_ =	shalt  }
.Lfunc_end0:
.L_simem_size_0:
called_computation_lowered:
.L_overlay_start_0:
0x88: {  	s2 =	sld [smem:$0x3FD9]  }
0x89: {  	s3 =	sld [smem:$0x3FFE];
	_ =	sdelay $0x1  }
0x8a: {  	s1 =	srdreg.scid  }
0x8b: {  	s0 =	sand.u32 $0x1, s1  }
0x8c: {  	s18 =	sshll.u32 s0, $0xA;
	s2 =	sadd.s32 s3, s2  }
0x8d: {  	s2 =	sadd.s32 s2, s18  }
0x8e: {  	[smem:$0x3FC6] =	sst s2  }
0x8f: {  	_ = 	snop  }
0x90: {  	s2 =	sld [smem:$0x3FC9]  }
0x91: {  	s19 =	sld [smem:$0x3FC8]  }
0x92: {  	s4 =	sld [smem:$0x3FD0];
	(tm) =	ssettm $0x1  }
0x93: {  	s5 =	sld [smem:$0x3FFB];
	_ =	sdelay $0x3  }
0x94: {  	_ =	strace s5  }
0x95: {  	s5 =	sld [smem:$0x3FFC];
	_ =	sdelay $0x3  }
0x96: {  	_ =	strace s5  }
0x97: {  	s5 =	sld [smem:$0x3FFD];
	_ =	sdelay $0x3  }
0x98: {  	_ =	strace s5  }
0x99: {  	_ =	strace $0x8FFFFFFF  }
0x9a: {  	s20 =	sld [smem:$0x3FDB];
	_ =	sdelay $0x1  }
0x9b: {  	s6 =	simm.s32 $_scs_section_size  }
0x9c: {  	s7 =	simm.s32 $_size__tile_overlayer_lowered;
	s8 =	simm.s32 $_tile_overlayer_lowered  }
0x9d: {  	s23 =	simm.s32 $0x1BFF;
	s22 =	sshll.u32 s8, $0x1;
	s5 =	sadd.s32 s6, s20  }
0x9e: {  	s9 =	simm.s32 $0x0;
	s21 =	sshll.u32 s7, $0x1;
	s7 =	sadd.s32 s22, s5  }
0x9f: {  	[timem:s9], [sflag:s23] =	dma.local [hbm:s7], s21  }
0xa0: {  	_ =	swait.ge [sflag:s23], s21  }
0xa1: {  	s6 =	ssub.s32 $0x0, s21;
	[sflag:s23] =	ssyncset.done $0x0  }
0xa2: {  	[sflag:s23] =	ssyncadd.s32 s6;
	_ =	sdelay $0x1  }
0xa3: {  	s24 =	simm.s32 $0x1B8B  }
0xa4: {  	_ =	swait.ge [sflag:s24], $0x1  }
0xa5: {  	[sflag:s24] =	ssyncset.done $0x0  }
0xa6: {  	s25 =	simm.s32 $0x1B8E;
	[sflag:s24] =	ssyncadd.s32 $0xFFFFFFFF  }
0xa7: {  	s26 =	simm.s32 $execute0_lowered;
	[smem:$0x3FD2] =	sst s25  }
0xa8: {  	s6 =	sshll.u32 s26, $0x1;
	_ =	strace $0x80000046;
	[dreg:$0x1] =	wrdreg $0xFFFFFFFF  }
0xa9: {  	s28 =	simm.s32 $_size_execute0_lowered;
	s5 =	sadd.s32 s5, s6;
	[dreg:$0x0] =	wrdreg $0x0  }
0xaa: {  	s6 =	sshll.u32 s28, $0x1;
	[dreg:$0x2] =	wrdreg s5  }
0xab: {  	[dreg:$0x3] =	wrdreg s6  }
0xac: {  	[dreg:$0x4] =	wrdreg $0xC0  }
0xad: {  	_ =	task [dreg:s9], $0x5FFFF  }
0xae: {  	[dreg:$0x1] =	wrdreg $0xFFFFFFFF  }
0xaf: {  	[dreg:$0x0] =	wrdreg $0x60  }
0xb0: {  	[dreg:$0x2] =	wrdreg s2  }
0xb1: {  	[dreg:$0x3] =	wrdreg s19  }
0xb2: {  	[dreg:$0x4] =	wrdreg s4  }
0xb3: {  	[dreg:$0x5] =	wrdreg $0x102000  }
0xb4: {  	[dreg:$0x6] =	wrdreg $0x9  }
0xb5: {  	_ =	task.clear_ibuf [dreg:s9], $0x7FFFF;
	_ =	strace $0x90000046  }
0xb6: {  	s29 =	simm.s32 $0x9;
	_ =	strace $0x80000048  }
0xb7: {  	_ =	swait.ge [sflag:s29], $0x1  }
0xb8: {  	[sflag:s29] =	ssyncadd.s32 $0xFFFFFFFF  }
0xb9: {  	_ =	strace $0x90000048  }
0xba: {  	_ =	sfence  }
0xbb: {  	s30 =	sld [smem:$0x0];
	_ =	sdelay $0x2  }
0xbc: {  	s31 =	sshll.u32 s1, $0xD;
	s1 =	sshrl.u32 s1, $0x2  }
0xbd: {  	s3 =	sand.u32 $0x4000, s31;
	s1 =	sadd.s32 s1, s30  }
0xbe: {  	s0 =	sor.u32 s3, s0;
	s1 =	sshll.u32 s1, $0x11  }
0xbf: {  	s0 =	sor.u32 s1, s0  }
0xc0: {  	s0 =	sadd.s32 $0x8F2B, s0  }
0xc1: {  	[sflag:s0] =	ssyncadd.remote.s32 $0x1  }
0xc2: {  	_ =	sfence.sel $0xFFFF  }
0xc3: {  	[dreg:$0x0] =	wrdreg $0xFFFFFFFF;
	(pc) =	sbr.abs _section_cstart, $3  }
0xc4: {  	[dreg:$0x1] =	wrdreg $0xFFFFFFFF  }
0xc5: {  	_ =	task.clear_ibuf [dreg:s9], $0x2FFFF;
	_ =	strace $0x9FFFFFFF  }
0xc6: {  	(tm) =	ssettm $0x7FFFFFFF  }
0xc7: {  	_ =	shalt  }
tec
execute0_lowered:
.L_overlay_start_1:
0x0: {  	(tag) =	ssettag $0x1  }
0x1: {  	s0 =	rddreg [dreg:$0x0]  }
0x2: {  	s1 =	rddreg [dreg:$0x1]  }
0x3: {  	s2 =	rddreg [dreg:$0x2]  }
0x4: {  	s4 =	rddreg [dreg:$0x3];
	s3 =	simm.s32 $0x0  }
0x5: {  	s9 =	stileid.u32;
	s5 =	srdreg.scid;
	s31 =	simm.s32 $0x4200  }
0x6: {  	s29 =	simm.s32 $0x8200;
	s20 =	simm.s32 $0x2;
	s30 =	simm.s32 $0x200  }
0x7: {  	[smem:$0x7FF] =	sst s3;
	s6 =	sshll.u32 s9, $0x1;
	s10 =	sand.u32 $0x1, s5  }
0x8: {  	s11 =	sshrl.u32 s9, $0x2;
	s23 =	smul.u32 $0x30000, s9;
	s12 =	sand.u32 $0x3, s9  }
0x9: {  	s9 =	sadd.s32 $0x500, s1;
	s21 =	sand.u32 $0x6, s6;
	s22 =	ssub.s32 $0x2, s10  }
0xa: {  	s7 =	sshll.u32 s11, $0x4;
	_ =	strace $0x80000047;
	s6 =	sadd.s32 $0x200, s1  }
0xb: {  	s11 =	sshll.u32 s11, $0x17;
	s12 =	sshll.u32 s12, $0x15;
	s13 =	sshll.u32 s10, $0x14  }
0xc: {  	s5 =	sor.u32 s10, s21;
	s8 =	sshrl.u32 s22, $0x1;
	s0 =	sadd.s32 s0, s7  }
0xd: {  	s7 =	sadd.s32 $0x300, s1;
	s12 =	sor.u32 s12, s11;
	s10 =	sadd.s32 $0x600, s1  }
0xe: {  	s21 =	simm.s32 $0x0;
	s5 =	sshll.u32 s5, $0x8;
	s15 =	ssub.s32 s22, s8  }
0xf: {  	s8 =	sadd.s32 $0x400, s1;
	s24 =	sor.u32 s13, s12;
	s12 =	sadd.s32 $0x700, s1  }
0x10: {  	s22 =	simm.s32 $0xFA00;
	s0 =	sadd.s32 s5, s0;
	s5 =	sadd.s32 $0x100, s1  }
0x11: {  	s25 =	sshrl.u32 s24, $0x3;
	s15 =	smax.u32 s15, $0x1;
	s26 =	sor.u32 $0xC000, s24  }
0x12: {  	s28 =	sor.u32 $0x8000, s24;
	[dreg:$0x5] =	wrdreg s0;
	s0 =	sshrl.u32 s23, $0x2  }
0x13: {  	[dreg:$0x6] =	wrdreg s15;
	s16 =	sadd.s32 s25, s2;
	s15 =	sshrl.u32 s28, $0x3  }
.Ltmp0:
0x14: {  	s23 =	simm.s32 $0x3;
	s11 =	sadd.s32 s0, s4;
	(pc) =	sbr.rel .LBB2_1-.Ltmp0, $4  }
0x15: {  	s0 =	sor.u32 $0x4000, s24;
	s4 =	sshrl.u32 s26, $0x3;
	s18 =	sadd.s32 s15, s2  }
0x16: {  	v0 =	vlaneseq.u32;
	s24 =	simm.s32 $0xC200;
	s15 =	simm.s32 $0xF200;
	s13 =	sadd.s32 $0x4000, s11  }
0x17: {  	v1 =	vshrl.u32 v0, $0x3;
	s14 =	sadd.s32 $0x8000, s11;
	s0 =	sshrl.u32 s0, $0x3;
	s17 =	sadd.s32 s4, s2  }
0x18: {  	vm0 =	vmmov $0xffff;
	v0 =	vand.u32 $0x7, v0;
	v1 =	vmul.u32 $0x8, v1;
	s4 =	simm.s32 $0xEA00;
	s19 =	sadd.s32 s0, s2;
	s0 =	simm.s32 $0x1  }
.LBB2_12:
0x19: {  	s2 =	simm.s32 $0x4  }
0x1a: {  	_ =	swait.ge [sflag:s2], $0x4000  }
0x1b: {  	[sflag:s2] =	ssyncset.done $0x0  }
0x1c: {  	[sflag:s2] =	ssyncadd.s32 $0xFFFFC000  }
0x1d: {  	_ =	swait.ge [sflag:s23], $0x800  }
0x1e: {  	[sflag:s23] =	ssyncset.done $0x0  }
0x1f: {  	[sflag:s23] =	ssyncadd.s32 $0xFFFFF800  }
0x20: {  	_ =	swait.ge [sflag:s23], $0x800  }
0x21: {  	[sflag:s23] =	ssyncset.done $0x0  }
0x22: {  	[sflag:s23] =	ssyncadd.s32 $0xFFFFF800  }
0x23: {  	_ =	swait.ge [sflag:s23], $0x800  }
0x24: {  	s21 =	rddreg [dreg:$0x7]  }
0x25: {  	s28 =	rddreg [dreg:$0x6];
	s21 =	sadd.s32 $0x1, s21  }
0x26: {  	p0 =	sne.s32 s21, s28  }
.Ltmp1:
0x27: {  	_ = 	snop;
	(pc) =	sbr.rel @!p0 .LBB2_13-.Ltmp1, $3  }
0x28: {  	_ =	sdelay $0x1  }
0x29: {  	[sflag:s23] =	ssyncset.done $0x0  }
0x2a: {  	[sflag:s23] =	ssyncadd.s32 $0xFFFFF800  }
.LBB2_1:
0x2b: {  	[dreg:$0x7] =	wrdreg s21  }
0x2c: {  	s2 =	rddreg [dreg:$0x5]  }
0x2d: {  	s28 =	simm.s32 $0x80;
	s25 =	simm.s32 $0x200;
	s26 =	simm.s32 $0x5  }
0x2e: {  	[tilespmem:s3], [sflag:$0x5] =	stream.strided.gather [hbm4b:s2+s28], $0x200, s25, s28, $0x38;
	[tilespmem:$0x1C200] =	vst v63  }
0x2f: {  	_ =	swait.ge [sflag:s26], $0x200  }
0x30: {  	[sflag:s26] =	ssyncset.done $0x0  }
0x31: {  	[sflag:s26] =	ssyncadd.s32 $0xFFFFFE00  }
0x32: {  	v2 =	vld.msk [tilespmem:$0x0], $0xff;
	_ =	sdelay $0x4  }
0x33: {  	v3 =	vshll.u32 v2, $0x4  }
0x34: {  	v2 =	vand.u32 $0x7, v2;
	v3 =	vand.u32 $0xFFFFFF80, v3  }
0x35: {  	v2 =	vor.u32 v2, v3  }
0x36: {  	v2 =	vperm.xlane v2, v0;
	_ =	sdelay $0x1  }
0x37: {  	v2 =	vadd.s32 v1, v2;
	_ =	sdelay $0x4  }
0x38: {  	[tilespmem:s25], [sflag:$0x1] =	stream.indirect_vreg.gather [hbm4b:s1+s3], $0x80, v2, vm0, $0xb8;
	[tilespmem:$0x1C200] =	vst v63  }
0x39: {  	s28 =	simm.s32 $0xA00  }
0x3a: {  	[tilespmem:s28], [sflag:$0x1] =	stream.indirect_vreg.gather [hbm4b:s5+s3], $0x80, v2, vm0, $0xb8;
	[tilespmem:$0x1C200] =	vst v63  }
0x3b: {  	s21 =	simm.s32 $0x1200  }
0x3c: {  	[tilespmem:s21], [sflag:$0x1] =	stream.indirect_vreg.gather [hbm4b:s6+s3], $0x80, v2, vm0, $0xb8;
	[tilespmem:$0x1C200] =	vst v63  }
0x3d: {  	s25 =	simm.s32 $0x1A00  }
0x3e: {  	[tilespmem:s25], [sflag:$0x1] =	stream.indirect_vreg.gather [hbm4b:s7+s3], $0x80, v2, vm0, $0xb8;
	[tilespmem:$0x1C200] =	vst v63  }
0x3f: {  	s26 =	simm.s32 $0x2200  }
0x40: {  	[tilespmem:s26], [sflag:$0x1] =	stream.indirect_vreg.gather [hbm4b:s8+s3], $0x80, v2, vm0, $0xb8;
	[tilespmem:$0x1C200] =	vst v63  }
0x41: {  	s28 =	simm.s32 $0x2A00  }
0x42: {  	[tilespmem:s28], [sflag:$0x1] =	stream.indirect_vreg.gather [hbm4b:s9+s3], $0x80, v2, vm0, $0xb8;
	[tilespmem:$0x1C200] =	vst v63  }
0x43: {  	s21 =	simm.s32 $0x3200  }
0x44: {  	[tilespmem:s21], [sflag:$0x1] =	stream.indirect_vreg.gather [hbm4b:s10+s3], $0x80, v2, vm0, $0xb8;
	[tilespmem:$0x1C200] =	vst v63  }
0x45: {  	s25 =	simm.s32 $0x3A00  }
0x46: {  	[tilespmem:s25], [sflag:$0x1] =	stream.indirect_vreg.gather [hbm4b:s12+s3], $0x80, v2, vm0, $0xb8;
	[tilespmem:$0x1C200] =	vst v63  }
0x47: {  	v2 =	vld.msk [tilespmem:$0x8], $0xff;
	_ =	sdelay $0x4  }
0x48: {  	v3 =	vshll.u32 v2, $0x4  }
0x49: {  	v2 =	vand.u32 $0x7, v2;
	v3 =	vand.u32 $0xFFFFFF80, v3  }
0x4a: {  	v2 =	vor.u32 v2, v3  }
0x4b: {  	v2 =	vperm.xlane v2, v0;
	_ =	sdelay $0x1  }
0x4c: {  	v2 =	vadd.s32 v1, v2;
	_ =	sdelay $0x4  }
0x4d: {  	[tilespmem:s31], [sflag:$0x1] =	stream.indirect_vreg.gather [hbm4b:s1+s3], $0x80, v2, vm0, $0xb8;
	[tilespmem:$0x1C200] =	vst v63  }
0x4e: {  	s26 =	simm.s32 $0x4A00  }
0x4f: {  	[tilespmem:s26], [sflag:$0x1] =	stream.indirect_vreg.gather [hbm4b:s5+s3], $0x80, v2, vm0, $0xb8;
	[tilespmem:$0x1C200] =	vst v63  }
0x50: {  	s28 =	simm.s32 $0x5200  }
0x51: {  	[tilespmem:s28], [sflag:$0x1] =	stream.indirect_vreg.gather [hbm4b:s6+s3], $0x80, v2, vm0, $0xb8;
	[tilespmem:$0x1C200] =	vst v63  }
0x52: {  	s21 =	simm.s32 $0x5A00  }
0x53: {  	[tilespmem:s21], [sflag:$0x1] =	stream.indirect_vreg.gather [hbm4b:s7+s3], $0x80, v2, vm0, $0xb8;
	[tilespmem:$0x1C200] =	vst v63  }
0x54: {  	s25 =	simm.s32 $0x6200  }
0x55: {  	[tilespmem:s25], [sflag:$0x1] =	stream.indirect_vreg.gather [hbm4b:s8+s3], $0x80, v2, vm0, $0xb8;
	[tilespmem:$0x1C200] =	vst v63  }
0x56: {  	s26 =	simm.s32 $0x6A00  }
0x57: {  	[tilespmem:s26], [sflag:$0x1] =	stream.indirect_vreg.gather [hbm4b:s9+s3], $0x80, v2, vm0, $0xb8;
	[tilespmem:$0x1C200] =	vst v63  }
0x58: {  	s28 =	simm.s32 $0x7200  }
0x59: {  	[tilespmem:s28], [sflag:$0x1] =	stream.indirect_vreg.gather [hbm4b:s10+s3], $0x80, v2, vm0, $0xb8;
	[tilespmem:$0x1C200] =	vst v63  }
0x5a: {  	s21 =	simm.s32 $0x7A00  }
0x5b: {  	[tilespmem:s21], [sflag:$0x1] =	stream.indirect_vreg.gather [hbm4b:s12+s3], $0x80, v2, vm0, $0xb8;
	[tilespmem:$0x1C200] =	vst v63  }
0x5c: {  	v2 =	vld.msk [tilespmem:$0x10], $0xff;
	_ =	sdelay $0x4  }
0x5d: {  	v3 =	vshll.u32 v2, $0x4  }
0x5e: {  	v2 =	vand.u32 $0x7, v2;
	v3 =	vand.u32 $0xFFFFFF80, v3  }
0x5f: {  	v2 =	vor.u32 v2, v3  }
0x60: {  	v2 =	vperm.xlane v2, v0;
	_ =	sdelay $0x1  }
0x61: {  	v2 =	vadd.s32 v1, v2;
	_ =	sdelay $0x4  }
0x62: {  	[tilespmem:s29], [sflag:$0x1] =	stream.indirect_vreg.gather [hbm4b:s1+s3], $0x80, v2, vm0, $0xb8;
	[tilespmem:$0x1C200] =	vst v63  }
0x63: {  	s25 =	simm.s32 $0x8A00  }
0x64: {  	[tilespmem:s25], [sflag:$0x1] =	stream.indirect_vreg.gather [hbm4b:s5+s3], $0x80, v2, vm0, $0xb8;
	[tilespmem:$0x1C200] =	vst v63  }
0x65: {  	s26 =	simm.s32 $0x9200  }
0x66: {  	[tilespmem:s26], [sflag:$0x1] =	stream.indirect_vreg.gather [hbm4b:s6+s3], $0x80, v2, vm0, $0xb8;
	[tilespmem:$0x1C200] =	vst v63  }
0x67: {  	s28 =	simm.s32 $0x9A00  }
0x68: {  	[tilespmem:s28], [sflag:$0x1] =	stream.indirect_vreg.gather [hbm4b:s7+s3], $0x80, v2, vm0, $0xb8;
	[tilespmem:$0x1C200] =	vst v63  }
0x69: {  	s21 =	simm.s32 $0xA200  }
0x6a: {  	[tilespmem:s21], [sflag:$0x1] =	stream.indirect_vreg.gather [hbm4b:s8+s3], $0x80, v2, vm0, $0xb8;
	[tilespmem:$0x1C200] =	vst v63  }
0x6b: {  	s25 =	simm.s32 $0xAA00  }
0x6c: {  	[tilespmem:s25], [sflag:$0x1] =	stream.indirect_vreg.gather [hbm4b:s9+s3], $0x80, v2, vm0, $0xb8;
	[tilespmem:$0x1C200] =	vst v63  }
0x6d: {  	s26 =	simm.s32 $0xB200  }
0x6e: {  	[tilespmem:s26], [sflag:$0x1] =	stream.indirect_vreg.gather [hbm4b:s10+s3], $0x80, v2, vm0, $0xb8;
	[tilespmem:$0x1C200] =	vst v63  }
0x6f: {  	s28 =	simm.s32 $0xBA00  }
0x70: {  	[tilespmem:s28], [sflag:$0x1] =	stream.indirect_vreg.gather [hbm4b:s12+s3], $0x80, v2, vm0, $0xb8;
	[tilespmem:$0x1C200] =	vst v63  }
0x71: {  	v2 =	vld.msk [tilespmem:$0x18], $0xff;
	_ =	sdelay $0x4  }
0x72: {  	v3 =	vshll.u32 v2, $0x4  }
0x73: {  	v2 =	vand.u32 $0x7, v2;
	v3 =	vand.u32 $0xFFFFFF80, v3  }
0x74: {  	v2 =	vor.u32 v2, v3  }
0x75: {  	v2 =	vperm.xlane v2, v0;
	_ =	sdelay $0x1  }
0x76: {  	v2 =	vadd.s32 v1, v2;
	_ =	sdelay $0x4  }
0x77: {  	[tilespmem:s24], [sflag:$0x1] =	stream.indirect_vreg.gather [hbm4b:s1+s3], $0x80, v2, vm0, $0xb8;
	[tilespmem:$0x1C200] =	vst v63  }
0x78: {  	s21 =	simm.s32 $0xCA00  }
0x79: {  	[tilespmem:s21], [sflag:$0x1] =	stream.indirect_vreg.gather [hbm4b:s5+s3], $0x80, v2, vm0, $0xb8;
	[tilespmem:$0x1C200] =	vst v63  }
0x7a: {  	s25 =	simm.s32 $0xD200  }
0x7b: {  	[tilespmem:s25], [sflag:$0x1] =	stream.indirect_vreg.gather [hbm4b:s6+s3], $0x80, v2, vm0, $0xb8;
	[tilespmem:$0x1C200] =	vst v63  }
0x7c: {  	s26 =	simm.s32 $0xDA00  }
0x7d: {  	[tilespmem:s26], [sflag:$0x1] =	stream.indirect_vreg.gather [hbm4b:s7+s3], $0x80, v2, vm0, $0xb8;
	[tilespmem:$0x1C200] =	vst v63  }
0x7e: {  	s28 =	simm.s32 $0xE200  }
0x7f: {  	[tilespmem:s28], [sflag:$0x1] =	stream.indirect_vreg.gather [hbm4b:s8+s3], $0x80, v2, vm0, $0xb8;
	[tilespmem:$0x1C200] =	vst v63  }
0x80: {  	_ = 	snop  }
0x81: {  	[tilespmem:s4], [sflag:$0x1] =	stream.indirect_vreg.gather [hbm4b:s9+s3], $0x80, v2, vm0, $0xb8;
	[tilespmem:$0x1C200] =	vst v63  }
0x82: {  	_ = 	snop  }
0x83: {  	[tilespmem:s15], [sflag:$0x1] =	stream.indirect_vreg.gather [hbm4b:s10+s3], $0x80, v2, vm0, $0xb8;
	[tilespmem:$0x1C200] =	vst v63  }
0x84: {  	s2 =	simm.s32 $0x38;
	s21 =	simm.s32 $0x0  }
0x85: {  	[tilespmem:s22], [sflag:$0x1] =	stream.indirect_vreg.gather [hbm4b:s12+s3], $0x80, v2, vm0, $0xb8;
	[tilespmem:$0x1C200] =	vst v63  }
.LBB2_2:
0x86: {  	_ =	swait.ge [sflag:s0], $0x4000  }
0x87: {  	[sflag:s0] =	ssyncset.done $0x0  }
0x88: {  	s25 =	sadd.s32 s21, s16;
	p0 =	seq.s32 s21, $0x1E000;
	[sflag:s0] =	ssyncadd.s32 $0xFFFFC000  }
0x89: {  	[hbm4b:s25+s3] =	stream.linear.scatter [tilespmem:s30], [sflag:$0x4], $0x4000, $0x38;
	[tilespmem:$0x1C200] =	vst v63  }
0x8a: {  	s25 =	simm.s32 @!p0 $0x4  }
0x8b: {  	_ =	swait.ge @!p0 [sflag:s25], $0x4000  }
0x8c: {  	[sflag:s25] =	ssyncset.done @!p0 $0x0  }
0x8d: {  	[sflag:s25] =	ssyncadd.s32 @!p0 $0xFFFFC000  }
0x8e: {  	v2 =	vld.msk @!p0 [tilespmem:s2+$0xFFFFFFE8], $0xff;
	_ =	sdelay $0x4  }
0x8f: {  	v3 =	vshll.u32 @!p0 v2, $0x4  }
0x90: {  	v4 =	vlaneseq.u32 @!p0;
	v2 =	vand.u32 @!p0 $0x7, v2;
	v3 =	vand.u32 @!p0 $0xFFFFFF80, v3  }
0x91: {  	v2 =	vor.u32 @!p0 v2, v3;
	v3 =	vand.u32 @!p0 $0x7, v4;
	v4 =	vshrl.u32 @!p0 v4, $0x3  }
0x92: {  	v2 =	vperm.xlane @!p0 v2, v3;
	v3 =	vmul.u32 @!p0 $0x8, v4;
	_ =	sdelay $0x1  }
0x93: {  	v2 =	vadd.s32 @!p0 v3, v2;
	_ =	sdelay $0x3  }
0x94: {  	vm1 =	vmmov @!p0 $0xffff;
	s26 =	simm.s32 @!p0 $0x200;
	s25 =	simm.s32 @!p0 $0x0  }
0x95: {  	[tilespmem:s26], [sflag:$0x1] =	stream.indirect_vreg.gather @!p0 [hbm4b:s1+s25], $0x80, v2, vm1, $0xb8;
	[tilespmem:$0x1C200] =	vst v63  }
0x96: {  	s26 =	simm.s32 @!p0 $0xA00  }
0x97: {  	[tilespmem:s26], [sflag:$0x1] =	stream.indirect_vreg.gather @!p0 [hbm4b:s5+s25], $0x80, v2, vm1, $0xb8;
	[tilespmem:$0x1C200] =	vst v63  }
0x98: {  	s26 =	simm.s32 @!p0 $0x1200  }
0x99: {  	[tilespmem:s26], [sflag:$0x1] =	stream.indirect_vreg.gather @!p0 [hbm4b:s6+s25], $0x80, v2, vm1, $0xb8;
	[tilespmem:$0x1C200] =	vst v63  }
0x9a: {  	s26 =	simm.s32 @!p0 $0x1A00  }
0x9b: {  	[tilespmem:s26], [sflag:$0x1] =	stream.indirect_vreg.gather @!p0 [hbm4b:s7+s25], $0x80, v2, vm1, $0xb8;
	[tilespmem:$0x1C200] =	vst v63  }
0x9c: {  	s26 =	simm.s32 @!p0 $0x2200  }
0x9d: {  	[tilespmem:s26], [sflag:$0x1] =	stream.indirect_vreg.gather @!p0 [hbm4b:s8+s25], $0x80, v2, vm1, $0xb8;
	[tilespmem:$0x1C200] =	vst v63  }
0x9e: {  	s26 =	simm.s32 @!p0 $0x2A00  }
0x9f: {  	[tilespmem:s26], [sflag:$0x1] =	stream.indirect_vreg.gather @!p0 [hbm4b:s9+s25], $0x80, v2, vm1, $0xb8;
	[tilespmem:$0x1C200] =	vst v63  }
0xa0: {  	s26 =	simm.s32 @!p0 $0x3200  }
0xa1: {  	[tilespmem:s26], [sflag:$0x1] =	stream.indirect_vreg.gather @!p0 [hbm4b:s10+s25], $0x80, v2, vm1, $0xb8;
	[tilespmem:$0x1C200] =	vst v63  }
0xa2: {  	s26 =	simm.s32 @!p0 $0x3A00  }
0xa3: {  	[tilespmem:s26], [sflag:$0x1] =	stream.indirect_vreg.gather @!p0 [hbm4b:s12+s25], $0x80, v2, vm1, $0xb8;
	[tilespmem:$0x1C200] =	vst v63  }
0xa4: {  	_ =	swait.ge [sflag:s0], $0x4000  }
0xa5: {  	p1 =	seq.s32 s21, $0x0;
	[sflag:s0] =	ssyncset.done $0x0  }
0xa6: {  	s25 =	simm.s32 @!p1 $0x3;
	[sflag:s0] =	ssyncadd.s32 $0xFFFFC000  }
0xa7: {  	_ =	swait.ge @!p1 [sflag:s25], $0x800  }
0xa8: {  	[sflag:s25] =	ssyncset.done @!p1 $0x0  }
0xa9: {  	p2 =	sne.s32 s21, $0x1E000;
	[sflag:s25] =	ssyncadd.s32 @!p1 $0xFFFFF800  }
0xaa: {  	[spmem:s11] =	stream.linear.scatter [tilespmem:s31], [sflag:$0x2], $0x4000, $0x38;
	[tilespmem:$0x1C200] =	vst v63  }
.Ltmp2:
0xab: {  	_ = 	snop;
	(pc) =	sbr.rel @p2 .LBB2_4-.Ltmp2, $4  }
0xac: {  	s28 =	stileid.u32;
	_ =	swait.ge [sflag:s20], $0x4000  }
0xad: {  	s26 =	sadd.s32 s21, s19;
	s25 =	sshll.u32 s28, $0x6;
	[sflag:s20] =	ssyncset.done $0x0  }
0xae: {  	s28 =	sshrl.u32 s11, $0x3;
	s25 =	sor.u32 $0x1C03, s25;
	[sflag:s20] =	ssyncadd.s32 $0xFFFFC000  }
0xaf: {  	[hbm:s26], [sflag:s25] =	dma.local [spmem:s28], $0x800  }
.Ltmp3:
0xb0: {  	(pc) =	sbr.rel .LBB2_5-.Ltmp3, $4  }
0xb1: {  	_ = 	snop  }
0xb2: {  	_ =	swait.ge [sflag:s0], $0x4000  }
0xb3: {  	[sflag:s0] =	ssyncset.done $0x0  }
0xb4: {  	[sflag:s0] =	ssyncadd.s32 $0xFFFFC000  }
.LBB2_4:
0xb5: {  	v2 =	vld.msk [tilespmem:s2+$0xFFFFFFF0], $0xff;
	_ =	sdelay $0x4  }
0xb6: {  	v3 =	vshll.u32 v2, $0x4  }
0xb7: {  	v2 =	vand.u32 $0x7, v2;
	v3 =	vand.u32 $0xFFFFFF80, v3  }
0xb8: {  	v2 =	vor.u32 v2, v3  }
0xb9: {  	v2 =	vperm.xlane v2, v0;
	_ =	sdelay $0x1  }
0xba: {  	v2 =	vadd.s32 v1, v2;
	_ =	sdelay $0x4  }
0xbb: {  	[tilespmem:s31], [sflag:$0x1] =	stream.indirect_vreg.gather [hbm4b:s1+s3], $0x80, v2, vm0, $0xb8;
	[tilespmem:$0x1C200] =	vst v63  }
0xbc: {  	s26 =	simm.s32 $0x4A00  }
0xbd: {  	[tilespmem:s26], [sflag:$0x1] =	stream.indirect_vreg.gather [hbm4b:s5+s3], $0x80, v2, vm0, $0xb8;
	[tilespmem:$0x1C200] =	vst v63  }
0xbe: {  	s28 =	simm.s32 $0x5200  }
0xbf: {  	[tilespmem:s28], [sflag:$0x1] =	stream.indirect_vreg.gather [hbm4b:s6+s3], $0x80, v2, vm0, $0xb8;
	[tilespmem:$0x1C200] =	vst v63  }
0xc0: {  	s28 =	simm.s32 $0x5A00  }
0xc1: {  	[tilespmem:s28], [sflag:$0x1] =	stream.indirect_vreg.gather [hbm4b:s7+s3], $0x80, v2, vm0, $0xb8;
	[tilespmem:$0x1C200] =	vst v63  }
0xc2: {  	s28 =	simm.s32 $0x6200  }
0xc3: {  	[tilespmem:s28], [sflag:$0x1] =	stream.indirect_vreg.gather [hbm4b:s8+s3], $0x80, v2, vm0, $0xb8;
	[tilespmem:$0x1C200] =	vst v63  }
0xc4: {  	s28 =	simm.s32 $0x6A00  }
0xc5: {  	[tilespmem:s28], [sflag:$0x1] =	stream.indirect_vreg.gather [hbm4b:s9+s3], $0x80, v2, vm0, $0xb8;
	[tilespmem:$0x1C200] =	vst v63  }
0xc6: {  	s28 =	simm.s32 $0x7200  }
0xc7: {  	[tilespmem:s28], [sflag:$0x1] =	stream.indirect_vreg.gather [hbm4b:s10+s3], $0x80, v2, vm0, $0xb8;
	[tilespmem:$0x1C200] =	vst v63  }
.Ltmp4:
0xc8: {  	s28 =	simm.s32 $0x7A00;
	(pc) =	sbr.rel @p1 .LBB2_6-.Ltmp4, $4  }
0xc9: {  	[tilespmem:s28], [sflag:$0x1] =	stream.indirect_vreg.gather [hbm4b:s12+s3], $0x80, v2, vm0, $0xb8;
	[tilespmem:$0x1C200] =	vst v63  }
0xca: {  	_ =	swait.ge [sflag:s0], $0x4000  }
0xcb: {  	[sflag:s0] =	ssyncset.done $0x0  }
0xcc: {  	[sflag:s0] =	ssyncadd.s32 $0xFFFFC000  }
.LBB2_5:
0xcd: {  	_ =	swait.ge [sflag:s23], $0x800  }
0xce: {  	[sflag:s23] =	ssyncset.done $0x0  }
0xcf: {  	[sflag:s23] =	ssyncadd.s32 $0xFFFFF800  }
.LBB2_6:
0xd0: {  	[spmem:s13] =	stream.linear.scatter [tilespmem:s29], [sflag:$0x2], $0x4000, $0x38;
	[tilespmem:$0x1C200] =	vst v63  }
.Ltmp5:
0xd1: {  	_ = 	snop;
	(pc) =	sbr.rel @p2 .LBB2_8-.Ltmp5, $4  }
0xd2: {  	_ =	swait.ge [sflag:s20], $0x4000  }
0xd3: {  	[sflag:s20] =	ssyncset.done $0x0  }
0xd4: {  	s26 =	sadd.s32 s21, s18;
	s28 =	sshrl.u32 s13, $0x3;
	[sflag:s20] =	ssyncadd.s32 $0xFFFFC000  }
0xd5: {  	[hbm:s26], [sflag:s25] =	dma.local [spmem:s28], $0x800  }
.Ltmp6:
0xd6: {  	(pc) =	sbr.rel .LBB2_9-.Ltmp6, $4  }
0xd7: {  	_ = 	snop  }
0xd8: {  	_ =	swait.ge [sflag:s0], $0x4000  }
0xd9: {  	[sflag:s0] =	ssyncset.done $0x0  }
0xda: {  	[sflag:s0] =	ssyncadd.s32 $0xFFFFC000  }
.LBB2_8:
0xdb: {  	v2 =	vld.msk [tilespmem:s2+$0xFFFFFFF8], $0xff;
	_ =	sdelay $0x4  }
0xdc: {  	v3 =	vshll.u32 v2, $0x4  }
0xdd: {  	v2 =	vand.u32 $0x7, v2;
	v3 =	vand.u32 $0xFFFFFF80, v3  }
0xde: {  	v2 =	vor.u32 v2, v3  }
0xdf: {  	v2 =	vperm.xlane v2, v0;
	_ =	sdelay $0x1  }
0xe0: {  	v2 =	vadd.s32 v1, v2;
	_ =	sdelay $0x4  }
0xe1: {  	[tilespmem:s29], [sflag:$0x1] =	stream.indirect_vreg.gather [hbm4b:s1+s3], $0x80, v2, vm0, $0xb8;
	[tilespmem:$0x1C200] =	vst v63  }
0xe2: {  	s26 =	simm.s32 $0x8A00  }
0xe3: {  	[tilespmem:s26], [sflag:$0x1] =	stream.indirect_vreg.gather [hbm4b:s5+s3], $0x80, v2, vm0, $0xb8;
	[tilespmem:$0x1C200] =	vst v63  }
0xe4: {  	s28 =	simm.s32 $0x9200  }
0xe5: {  	[tilespmem:s28], [sflag:$0x1] =	stream.indirect_vreg.gather [hbm4b:s6+s3], $0x80, v2, vm0, $0xb8;
	[tilespmem:$0x1C200] =	vst v63  }
0xe6: {  	s28 =	simm.s32 $0x9A00  }
0xe7: {  	[tilespmem:s28], [sflag:$0x1] =	stream.indirect_vreg.gather [hbm4b:s7+s3], $0x80, v2, vm0, $0xb8;
	[tilespmem:$0x1C200] =	vst v63  }
0xe8: {  	s28 =	simm.s32 $0xA200  }
0xe9: {  	[tilespmem:s28], [sflag:$0x1] =	stream.indirect_vreg.gather [hbm4b:s8+s3], $0x80, v2, vm0, $0xb8;
	[tilespmem:$0x1C200] =	vst v63  }
0xea: {  	s28 =	simm.s32 $0xAA00  }
0xeb: {  	[tilespmem:s28], [sflag:$0x1] =	stream.indirect_vreg.gather [hbm4b:s9+s3], $0x80, v2, vm0, $0xb8;
	[tilespmem:$0x1C200] =	vst v63  }
0xec: {  	s28 =	simm.s32 $0xB200  }
0xed: {  	[tilespmem:s28], [sflag:$0x1] =	stream.indirect_vreg.gather [hbm4b:s10+s3], $0x80, v2, vm0, $0xb8;
	[tilespmem:$0x1C200] =	vst v63  }
.Ltmp7:
0xee: {  	s28 =	simm.s32 $0xBA00;
	(pc) =	sbr.rel @p1 .LBB2_10-.Ltmp7, $4  }
0xef: {  	[tilespmem:s28], [sflag:$0x1] =	stream.indirect_vreg.gather [hbm4b:s12+s3], $0x80, v2, vm0, $0xb8;
	[tilespmem:$0x1C200] =	vst v63  }
0xf0: {  	_ =	swait.ge [sflag:s0], $0x4000  }
0xf1: {  	[sflag:s0] =	ssyncset.done $0x0  }
0xf2: {  	[sflag:s0] =	ssyncadd.s32 $0xFFFFC000  }
.LBB2_9:
0xf3: {  	_ =	swait.ge [sflag:s23], $0x800  }
0xf4: {  	[sflag:s23] =	ssyncset.done $0x0  }
0xf5: {  	[sflag:s23] =	ssyncadd.s32 $0xFFFFF800  }
.LBB2_10:
0xf6: {  	[spmem:s14] =	stream.linear.scatter [tilespmem:s24], [sflag:$0x2], $0x4000, $0x38;
	[tilespmem:$0x1C200] =	vst v63  }
.Ltmp8:
0xf7: {  	_ = 	snop;
	(pc) =	sbr.rel @p0 .LBB2_12-.Ltmp8, $4  }
0xf8: {  	_ =	swait.ge [sflag:s20], $0x4000  }
0xf9: {  	[sflag:s20] =	ssyncset.done $0x0  }
0xfa: {  	s26 =	sadd.s32 s21, s17;
	s28 =	sshrl.u32 s14, $0x3;
	[sflag:s20] =	ssyncadd.s32 $0xFFFFC000  }
0xfb: {  	[hbm:s26], [sflag:s25] =	dma.local [spmem:s28], $0x800  }
0xfc: {  	v2 =	vld.msk [tilespmem:s2+$0x0], $0xff;
	_ =	sdelay $0x4  }
0xfd: {  	v3 =	vshll.u32 v2, $0x4  }
0xfe: {  	v2 =	vand.u32 $0x7, v2;
	v3 =	vand.u32 $0xFFFFFF80, v3  }
0xff: {  	v2 =	vor.u32 v2, v3  }
0x100: {  	v2 =	vperm.xlane v2, v0;
	_ =	sdelay $0x1  }
0x101: {  	v2 =	vadd.s32 v1, v2;
	_ =	sdelay $0x4  }
0x102: {  	[tilespmem:s24], [sflag:$0x1] =	stream.indirect_vreg.gather [hbm4b:s1+s3], $0x80, v2, vm0, $0xb8;
	[tilespmem:$0x1C200] =	vst v63  }
0x103: {  	s25 =	simm.s32 $0xCA00  }
0x104: {  	[tilespmem:s25], [sflag:$0x1] =	stream.indirect_vreg.gather [hbm4b:s5+s3], $0x80, v2, vm0, $0xb8;
	[tilespmem:$0x1C200] =	vst v63  }
0x105: {  	s28 =	simm.s32 $0xD200  }
0x106: {  	[tilespmem:s28], [sflag:$0x1] =	stream.indirect_vreg.gather [hbm4b:s6+s3], $0x80, v2, vm0, $0xb8;
	[tilespmem:$0x1C200] =	vst v63  }
0x107: {  	s26 =	simm.s32 $0xDA00  }
0x108: {  	[tilespmem:s26], [sflag:$0x1] =	stream.indirect_vreg.gather [hbm4b:s7+s3], $0x80, v2, vm0, $0xb8;
	[tilespmem:$0x1C200] =	vst v63  }
0x109: {  	s28 =	simm.s32 $0xE200  }
0x10a: {  	[tilespmem:s28], [sflag:$0x1] =	stream.indirect_vreg.gather [hbm4b:s8+s3], $0x80, v2, vm0, $0xb8;
	[tilespmem:$0x1C200] =	vst v63  }
0x10b: {  	_ = 	snop  }
0x10c: {  	[tilespmem:s4], [sflag:$0x1] =	stream.indirect_vreg.gather [hbm4b:s9+s3], $0x80, v2, vm0, $0xb8;
	[tilespmem:$0x1C200] =	vst v63  }
.Ltmp9:
0x10d: {  	_ = 	snop;
	(pc) =	sbr.rel .LBB2_2-.Ltmp9, $4  }
0x10e: {  	_ = 	snop  }
0x10f: {  	[tilespmem:s15], [sflag:$0x1] =	stream.indirect_vreg.gather [hbm4b:s10+s3], $0x80, v2, vm0, $0xb8;
	[tilespmem:$0x1C200] =	vst v63  }
0x110: {  	s21 =	sadd.s32 $0x2000, s21;
	s2 =	sadd.s32 $0x20, s2  }
0x111: {  	[tilespmem:s22], [sflag:$0x1] =	stream.indirect_vreg.gather [hbm4b:s12+s3], $0x80, v2, vm0, $0xb8;
	[tilespmem:$0x1C200] =	vst v63  }
.LBB2_13:
0x112: {  	_ =	sfence.sel $0x180000  }
0x113: {  	[bflag:$0x0] =	sbarrier.arrive $0xFFFF  }
0x114: {  	_ =	strace $0x90000047  }
0x115: {  	s0 =	stileid.u32;
	[bflag:$0x2] =	sbarrier.arrive $0xFFFF  }
0x116: {  	p0 =	sne.s32 s0, $0x0;
	s0 =	rddreg [dreg:$0x4]  }
0x117: {  	s0 =	sadd.s32 @!p0 $0x100000, s0  }
0x118: {  	[sflag:s0] =	ssyncadd.tile.s32 @!p0 $0x1;
	_ =	shalt  }
.Lfunc_end2:
_tile_overlayer_lowered:
.L_overlay_start_2:
0x119: {  	(tag) =	ssettag $0x2  }
0x11a: {  	s0 =	rddreg [dreg:$0x0];
	s2 =	stileid.u32  }
0x11b: {  	s1 =	rddreg [dreg:$0x1];
	p0 =	sne.s32 s2, $0x0  }
0x11c: {  	s3 =	rddreg [dreg:$0x2];
	[bflag:$0x3] =	sbarrier.arrive $0xFFFF;
	s2 =	simm.s32 @!p0 $0x1C05  }
0x11d: {  	[timem:s3], [sflag:s2] =	dma.local @!p0 [hbm:s0], s1  }
0x11e: {  	s0 =	simm.s32 @!p0 $0x5  }
0x11f: {  	_ =	swait.ge @!p0 [sflag:s0], s1  }
0x120: {  	s1 =	ssub.s32 @!p0 $0x0, s1;
	[sflag:s0] =	ssyncset.done @!p0 $0x0  }
0x121: {  	[sflag:s0] =	ssyncadd.s32 @!p0 s1  }
0x122: {  	[bflag:$0x3] =	sbarrier.arrive $0xFFFF  }
0x123: {  	_ =	shalt  }

</sc_bundles>
